<compile_context>
chip_gen: v7x
topology: tpu7x:2x2x1
jax: 0.10.2.dev20260603
libtpu: 0.0.44.dev20260713+nightly
codegen_flags: <defaults>
</compile_context>

<pallas_src>
import jax
import jax.numpy as jnp
from jax import lax
from jax.experimental import pallas as pl
from jax.experimental.pallas import tpu as pltpu
from jax.experimental.pallas import tpu_sc as plsc

B = 4096
SLOT = 26
EMB = 64
NNZ = B * SLOT

NC = 2
NS = 16
NW = NC * NS
PER_W = NNZ // NW
SUB = 128
NSUB = PER_W // SUB


CHUNK = 13
NCHUNK = NSUB // CHUNK
ROWS_C = CHUNK * SUB


def _gather_body(table_hbm, idx_hbm, out_hbm, idx_v, buf, sem):
    wid = lax.axis_index("s") * NC + lax.axis_index("c")
    base = wid * PER_W

    pltpu.sync_copy(idx_hbm.at[pl.ds(base, PER_W)], idx_v)

    for c in range(NCHUNK):
        for k in range(CHUNK):
            j = c * CHUNK + k
            pltpu.async_copy(
                table_hbm.at[idx_v.at[pl.ds(j * SUB, SUB)]],
                buf.at[pl.ds(k * SUB, SUB)],
                sem,
            )
        pltpu.make_async_copy(
            out_hbm.at[pl.ds(base + c * ROWS_C, ROWS_C)], buf, sem
        ).wait()
        pltpu.sync_copy(buf, out_hbm.at[pl.ds(base + c * ROWS_C, ROWS_C)])


def kernel(row_offsets, value_tensors, nnz_array, output_shape, table):
    del row_offsets, nnz_array, output_shape
    mesh = plsc.VectorSubcoreMesh(core_axis_name="c", subcore_axis_name="s")
    gather = pl.kernel(
        _gather_body,
        out_type=jax.ShapeDtypeStruct((NNZ, EMB), jnp.float32),
        mesh=mesh,
        compiler_params=pltpu.CompilerParams(use_tc_tiling_on_sc=False),
        scratch_types=[
            pltpu.VMEM((PER_W,), jnp.int32),
            pltpu.VMEM((ROWS_C, EMB), jnp.float32),
            pltpu.SemaphoreType.DMA,
        ],
    )
    out = gather(table, value_tensors)
    return out.reshape(B, SLOT, EMB)

# --- scband reference (transcript-rebuilt; emitter-appended) ---
"""Pipeline reference for scband-plugin-embedding-14791867368151 (READ-ONLY COPY).

The authoritative reference and input builder live on the scoring server;
editing this copy changes nothing except your own understanding.
"""

import jax, jax.numpy as jnp
import numpy as np

B = 4096
SLOT = 26
EMB = 64
VOCAB = 1000000
NNZ = B * SLOT  # max_nnz=1 -> exactly one value per (batch, slot) CSR row


def setup_inputs(seed: int = 0) -> dict:
    key = jax.random.key(seed)
    k1, k2 = jax.random.split(key)
    row_offsets = jnp.arange(NNZ + 1, dtype=jnp.int32)  # CSR offsets, nnz=1 per row
    value_tensors = jax.random.randint(k1, (NNZ,), 0, VOCAB, dtype=jnp.int32)
    nnz_array = NNZ  # scalar int (total nnz)
    output_shape = jnp.array([B, SLOT, EMB], dtype=jnp.int32)
    # learned embedding table (the hugectr-side parameter)
    table = jax.random.normal(k2, (VOCAB, EMB), dtype=jnp.float32) * 0.01
    return {
        "row_offsets": row_offsets,
        "value_tensors": value_tensors,
        "nnz_array": nnz_array,
        "output_shape": output_shape,
        "table": table,
    }


def reference(row_offsets, value_tensors, nnz_array, output_shape, table):
    # hugectr.fprop_v3 with combiner='sum': gather embedding vectors for each
    # sparse value, then sum within each CSR row (one row per (batch, slot)),
    # producing output of shape [batch, slot_num, embedding_vec_size].
    nnz = value_tensors.shape[0]
    emb = jnp.take(table, value_tensors, axis=0)  # [nnz, EMB]
    # row id for each value from CSR offsets
    seg = jnp.searchsorted(row_offsets, jnp.arange(nnz, dtype=row_offsets.dtype), side="right") - 1
    combined = jax.ops.segment_sum(emb, seg, num_segments=B * SLOT)  # [B*SLOT, EMB]
    return combined.reshape(B, SLOT, EMB)

if __name__ == "__main__":
    import jax
    _d = setup_inputs()
    print(jax.jit(kernel)(*tuple(_d.values())))

</pallas_src>

<mosaic_0001>
#map = affine_map<(d0, d1) -> (0, 0)>
#map1 = affine_map<(d0, d1) -> (0)>
module attributes {stable_mosaic.version = 14 : i64} {
  func.func @_gather_body(%arg0: i32, %arg1: i32, %arg2: memref<1000000x64xf32, #tpu.memory_space<hbm>>, %arg3: memref<106496xi32, #tpu.memory_space<hbm>>, %arg4: memref<106496x64xf32, #tpu.memory_space<hbm>>, %arg5: memref<3328xi32, #tpu.memory_space<vmem>>, %arg6: memref<1664x64xf32, #tpu.memory_space<vmem>>, %arg7: memref<!tpu.dma_semaphore, #tpu.memory_space<semaphore_mem>>) attributes {dimension_semantics = [#tpu.dimension_semantics<core_parallel>, #tpu.dimension_semantics<subcore_parallel>], iteration_bounds = array<i64: 2, 16>, scalar_prefetch = 0 : i64, scratch_operands = 3 : i64, tpu.core_type = #tpu.core_type<sc_vector_subcore>, window_params = [{transform_indices = #map}, {transform_indices = #map1}, {transform_indices = #map}]} {
    %mul3A = arith.constant 2 : i32
    %mul3A_0 = arith.muli %arg1, %mul3A : i32
    %add3A = arith.addi %mul3A_0, %arg0 : i32
    %mul3A_1 = arith.constant 3328 : i32
    %mul3A_2 = arith.muli %add3A, %mul3A_1 : i32
    "tpu.region"() ({
      %run_scoped3A = tpu.sem_alloc : memref<!tpu.dma_semaphore, #tpu.memory_space<semaphore_mem>>
      %dma_start3A_225 = tpu.memref_slice %arg3[%mul3A_2] : memref<106496xi32, #tpu.memory_space<hbm>> -> memref<3328xi32, #tpu.memory_space<hbm>>
      %dma_start3A_226 = tpu.memref_slice %arg3[%mul3A_2] : memref<106496xi32, #tpu.memory_space<hbm>> -> memref<3328xi32, #tpu.memory_space<hbm>>
      tpu.enqueue_dma source(%dma_start3A_226 : memref<3328xi32, #tpu.memory_space<hbm>>) target(%arg5 : memref<3328xi32, #tpu.memory_space<vmem>>) target_semaphore(%run_scoped3A : memref<!tpu.dma_semaphore, #tpu.memory_space<semaphore_mem>>)
      %dma_wait3A_227 = tpu.memref_slice %arg3[%mul3A_2] : memref<106496xi32, #tpu.memory_space<hbm>> -> memref<3328xi32, #tpu.memory_space<hbm>>
      %dma_wait3A_228 = tpu.memref_slice %arg3[%mul3A_2] : memref<106496xi32, #tpu.memory_space<hbm>> -> memref<3328xi32, #tpu.memory_space<hbm>>
      tpu.wait_dma2 semaphore(%run_scoped3A : memref<!tpu.dma_semaphore, #tpu.memory_space<semaphore_mem>>) src(%dma_wait3A_228 : memref<3328xi32, #tpu.memory_space<hbm>>) dst(%arg5 : memref<3328xi32, #tpu.memory_space<vmem>>)
      tpu.yield
    }) : () -> ()
    %dma_start3A = arith.constant 0 : i32
    %dma_start3A_3 = arith.constant 0 : i32
    %dma_start3A_4 = tpu.memref_slice %arg6[%dma_start3A, %dma_start3A_3] : memref<1664x64xf32, #tpu.memory_space<vmem>> -> memref<128x64xf32, #tpu.memory_space<vmem>>
    %dma_start3A_5 = arith.constant 0 : i32
    %dma_start3A_6 = tpu.memref_slice %arg5[%dma_start3A_5] : memref<3328xi32, #tpu.memory_space<vmem>> -> memref<128xi32, #tpu.memory_space<vmem>>
    %dma_start3A_7 = arith.constant 0 : i32
    %dma_start3A_8 = arith.constant 0 : i32
    %dma_start3A_9 = tpu.memref_slice %arg2[%dma_start3A_7, %dma_start3A_8] : memref<1000000x64xf32, #tpu.memory_space<hbm>> -> memref<1000000x64xf32, #tpu.memory_space<hbm>>
    tpu.enqueue_indirect_dma source(%dma_start3A_9 : memref<1000000x64xf32, #tpu.memory_space<hbm>>) target(%dma_start3A_4 : memref<128x64xf32, #tpu.memory_space<vmem>>) offsets(%dma_start3A_6 : memref<128xi32, #tpu.memory_space<vmem>>) semaphore(%arg7 : memref<!tpu.dma_semaphore, #tpu.memory_space<semaphore_mem>>)
    %dma_start3A_10 = arith.constant 128 : i32
    %dma_start3A_11 = arith.constant 0 : i32
    %dma_start3A_12 = tpu.memref_slice %arg6[%dma_start3A_10, %dma_start3A_11] : memref<1664x64xf32, #tpu.memory_space<vmem>> -> memref<128x64xf32, #tpu.memory_space<vmem>>
    %dma_start3A_13 = arith.constant 128 : i32
    %dma_start3A_14 = tpu.memref_slice %arg5[%dma_start3A_13] : memref<3328xi32, #tpu.memory_space<vmem>> -> memref<128xi32, #tpu.memory_space<vmem>>
    %dma_start3A_15 = arith.constant 0 : i32
    %dma_start3A_16 = arith.constant 0 : i32
    %dma_start3A_17 = tpu.memref_slice %arg2[%dma_start3A_15, %dma_start3A_16] : memref<1000000x64xf32, #tpu.memory_space<hbm>> -> memref<1000000x64xf32, #tpu.memory_space<hbm>>
    tpu.enqueue_indirect_dma source(%dma_start3A_17 : memref<1000000x64xf32, #tpu.memory_space<hbm>>) target(%dma_start3A_12 : memref<128x64xf32, #tpu.memory_space<vmem>>) offsets(%dma_start3A_14 : memref<128xi32, #tpu.memory_space<vmem>>) semaphore(%arg7 : memref<!tpu.dma_semaphore, #tpu.memory_space<semaphore_mem>>)
    %dma_start3A_18 = arith.constant 256 : i32
    %dma_start3A_19 = arith.constant 0 : i32
    %dma_start3A_20 = tpu.memref_slice %arg6[%dma_start3A_18, %dma_start3A_19] : memref<1664x64xf32, #tpu.memory_space<vmem>> -> memref<128x64xf32, #tpu.memory_space<vmem>>
    %dma_start3A_21 = arith.constant 256 : i32
    %dma_start3A_22 = tpu.memref_slice %arg5[%dma_start3A_21] : memref<3328xi32, #tpu.memory_space<vmem>> -> memref<128xi32, #tpu.memory_space<vmem>>
    %dma_start3A_23 = arith.constant 0 : i32
    %dma_start3A_24 = arith.constant 0 : i32
    %dma_start3A_25 = tpu.memref_slice %arg2[%dma_start3A_23, %dma_start3A_24] : memref<1000000x64xf32, #tpu.memory_space<hbm>> -> memref<1000000x64xf32, #tpu.memory_space<hbm>>
    tpu.enqueue_indirect_dma source(%dma_start3A_25 : memref<1000000x64xf32, #tpu.memory_space<hbm>>) target(%dma_start3A_20 : memref<128x64xf32, #tpu.memory_space<vmem>>) offsets(%dma_start3A_22 : memref<128xi32, #tpu.memory_space<vmem>>) semaphore(%arg7 : memref<!tpu.dma_semaphore, #tpu.memory_space<semaphore_mem>>)
    %dma_start3A_26 = arith.constant 384 : i32
    %dma_start3A_27 = arith.constant 0 : i32
    %dma_start3A_28 = tpu.memref_slice %arg6[%dma_start3A_26, %dma_start3A_27] : memref<1664x64xf32, #tpu.memory_space<vmem>> -> memref<128x64xf32, #tpu.memory_space<vmem>>
    %dma_start3A_29 = arith.constant 384 : i32
    %dma_start3A_30 = tpu.memref_slice %arg5[%dma_start3A_29] : memref<3328xi32, #tpu.memory_space<vmem>> -> memref<128xi32, #tpu.memory_space<vmem>>
    %dma_start3A_31 = arith.constant 0 : i32
    %dma_start3A_32 = arith.constant 0 : i32
    %dma_start3A_33 = tpu.memref_slice %arg2[%dma_start3A_31, %dma_start3A_32] : memref<1000000x64xf32, #tpu.memory_space<hbm>> -> memref<1000000x64xf32, #tpu.memory_space<hbm>>
    tpu.enqueue_indirect_dma source(%dma_start3A_33 : memref<1000000x64xf32, #tpu.memory_space<hbm>>) target(%dma_start3A_28 : memref<128x64xf32, #tpu.memory_space<vmem>>) offsets(%dma_start3A_30 : memref<128xi32, #tpu.memory_space<vmem>>) semaphore(%arg7 : memref<!tpu.dma_semaphore, #tpu.memory_space<semaphore_mem>>)
    %dma_start3A_34 = arith.constant 512 : i32
    %dma_start3A_35 = arith.constant 0 : i32
    %dma_start3A_36 = tpu.memref_slice %arg6[%dma_start3A_34, %dma_start3A_35] : memref<1664x64xf32, #tpu.memory_space<vmem>> -> memref<128x64xf32, #tpu.memory_space<vmem>>
    %dma_start3A_37 = arith.constant 512 : i32
    %dma_start3A_38 = tpu.memref_slice %arg5[%dma_start3A_37] : memref<3328xi32, #tpu.memory_space<vmem>> -> memref<128xi32, #tpu.memory_space<vmem>>
    %dma_start3A_39 = arith.constant 0 : i32
    %dma_start3A_40 = arith.constant 0 : i32
    %dma_start3A_41 = tpu.memref_slice %arg2[%dma_start3A_39, %dma_start3A_40] : memref<1000000x64xf32, #tpu.memory_space<hbm>> -> memref<1000000x64xf32, #tpu.memory_space<hbm>>
    tpu.enqueue_indirect_dma source(%dma_start3A_41 : memref<1000000x64xf32, #tpu.memory_space<hbm>>) target(%dma_start3A_36 : memref<128x64xf32, #tpu.memory_space<vmem>>) offsets(%dma_start3A_38 : memref<128xi32, #tpu.memory_space<vmem>>) semaphore(%arg7 : memref<!tpu.dma_semaphore, #tpu.memory_space<semaphore_mem>>)
    %dma_start3A_42 = arith.constant 640 : i32
    %dma_start3A_43 = arith.constant 0 : i32
    %dma_start3A_44 = tpu.memref_slice %arg6[%dma_start3A_42, %dma_start3A_43] : memref<1664x64xf32, #tpu.memory_space<vmem>> -> memref<128x64xf32, #tpu.memory_space<vmem>>
    %dma_start3A_45 = arith.constant 640 : i32
    %dma_start3A_46 = tpu.memref_slice %arg5[%dma_start3A_45] : memref<3328xi32, #tpu.memory_space<vmem>> -> memref<128xi32, #tpu.memory_space<vmem>>
    %dma_start3A_47 = arith.constant 0 : i32
    %dma_start3A_48 = arith.constant 0 : i32
    %dma_start3A_49 = tpu.memref_slice %arg2[%dma_start3A_47, %dma_start3A_48] : memref<1000000x64xf32, #tpu.memory_space<hbm>> -> memref<1000000x64xf32, #tpu.memory_space<hbm>>
    tpu.enqueue_indirect_dma source(%dma_start3A_49 : memref<1000000x64xf32, #tpu.memory_space<hbm>>) target(%dma_start3A_44 : memref<128x64xf32, #tpu.memory_space<vmem>>) offsets(%dma_start3A_46 : memref<128xi32, #tpu.memory_space<vmem>>) semaphore(%arg7 : memref<!tpu.dma_semaphore, #tpu.memory_space<semaphore_mem>>)
    %dma_start3A_50 = arith.constant 768 : i32
    %dma_start3A_51 = arith.constant 0 : i32
    %dma_start3A_52 = tpu.memref_slice %arg6[%dma_start3A_50, %dma_start3A_51] : memref<1664x64xf32, #tpu.memory_space<vmem>> -> memref<128x64xf32, #tpu.memory_space<vmem>>
    %dma_start3A_53 = arith.constant 768 : i32
    %dma_start3A_54 = tpu.memref_slice %arg5[%dma_start3A_53] : memref<3328xi32, #tpu.memory_space<vmem>> -> memref<128xi32, #tpu.memory_space<vmem>>
    %dma_start3A_55 = arith.constant 0 : i32
    %dma_start3A_56 = arith.constant 0 : i32
    %dma_start3A_57 = tpu.memref_slice %arg2[%dma_start3A_55, %dma_start3A_56] : memref<1000000x64xf32, #tpu.memory_space<hbm>> -> memref<1000000x64xf32, #tpu.memory_space<hbm>>
    tpu.enqueue_indirect_dma source(%dma_start3A_57 : memref<1000000x64xf32, #tpu.memory_space<hbm>>) target(%dma_start3A_52 : memref<128x64xf32, #tpu.memory_space<vmem>>) offsets(%dma_start3A_54 : memref<128xi32, #tpu.memory_space<vmem>>) semaphore(%arg7 : memref<!tpu.dma_semaphore, #tpu.memory_space<semaphore_mem>>)
    %dma_start3A_58 = arith.constant 896 : i32
    %dma_start3A_59 = arith.constant 0 : i32
    %dma_start3A_60 = tpu.memref_slice %arg6[%dma_start3A_58, %dma_start3A_59] : memref<1664x64xf32, #tpu.memory_space<vmem>> -> memref<128x64xf32, #tpu.memory_space<vmem>>
    %dma_start3A_61 = arith.constant 896 : i32
    %dma_start3A_62 = tpu.memref_slice %arg5[%dma_start3A_61] : memref<3328xi32, #tpu.memory_space<vmem>> -> memref<128xi32, #tpu.memory_space<vmem>>
    %dma_start3A_63 = arith.constant 0 : i32
    %dma_start3A_64 = arith.constant 0 : i32
    %dma_start3A_65 = tpu.memref_slice %arg2[%dma_start3A_63, %dma_start3A_64] : memref<1000000x64xf32, #tpu.memory_space<hbm>> -> memref<1000000x64xf32, #tpu.memory_space<hbm>>
    tpu.enqueue_indirect_dma source(%dma_start3A_65 : memref<1000000x64xf32, #tpu.memory_space<hbm>>) target(%dma_start3A_60 : memref<128x64xf32, #tpu.memory_space<vmem>>) offsets(%dma_start3A_62 : memref<128xi32, #tpu.memory_space<vmem>>) semaphore(%arg7 : memref<!tpu.dma_semaphore, #tpu.memory_space<semaphore_mem>>)
    %dma_start3A_66 = arith.constant 1024 : i32
    %dma_start3A_67 = arith.constant 0 : i32
    %dma_start3A_68 = tpu.memref_slice %arg6[%dma_start3A_66, %dma_start3A_67] : memref<1664x64xf32, #tpu.memory_space<vmem>> -> memref<128x64xf32, #tpu.memory_space<vmem>>
    %dma_start3A_69 = arith.constant 1024 : i32
    %dma_start3A_70 = tpu.memref_slice %arg5[%dma_start3A_69] : memref<3328xi32, #tpu.memory_space<vmem>> -> memref<128xi32, #tpu.memory_space<vmem>>
    %dma_start3A_71 = arith.constant 0 : i32
    %dma_start3A_72 = arith.constant 0 : i32
    %dma_start3A_73 = tpu.memref_slice %arg2[%dma_start3A_71, %dma_start3A_72] : memref<1000000x64xf32, #tpu.memory_space<hbm>> -> memref<1000000x64xf32, #tpu.memory_space<hbm>>
    tpu.enqueue_indirect_dma source(%dma_start3A_73 : memref<1000000x64xf32, #tpu.memory_space<hbm>>) target(%dma_start3A_68 : memref<128x64xf32, #tpu.memory_space<vmem>>) offsets(%dma_start3A_70 : memref<128xi32, #tpu.memory_space<vmem>>) semaphore(%arg7 : memref<!tpu.dma_semaphore, #tpu.memory_space<semaphore_mem>>)
    %dma_start3A_74 = arith.constant 1152 : i32
    %dma_start3A_75 = arith.constant 0 : i32
    %dma_start3A_76 = tpu.memref_slice %arg6[%dma_start3A_74, %dma_start3A_75] : memref<1664x64xf32, #tpu.memory_space<vmem>> -> memref<128x64xf32, #tpu.memory_space<vmem>>
    %dma_start3A_77 = arith.constant 1152 : i32
    %dma_start3A_78 = tpu.memref_slice %arg5[%dma_start3A_77] : memref<3328xi32, #tpu.memory_space<vmem>> -> memref<128xi32, #tpu.memory_space<vmem>>
    %dma_start3A_79 = arith.constant 0 : i32
    %dma_start3A_80 = arith.constant 0 : i32
    %dma_start3A_81 = tpu.memref_slice %arg2[%dma_start3A_79, %dma_start3A_80] : memref<1000000x64xf32, #tpu.memory_space<hbm>> -> memref<1000000x64xf32, #tpu.memory_space<hbm>>
    tpu.enqueue_indirect_dma source(%dma_start3A_81 : memref<1000000x64xf32, #tpu.memory_space<hbm>>) target(%dma_start3A_76 : memref<128x64xf32, #tpu.memory_space<vmem>>) offsets(%dma_start3A_78 : memref<128xi32, #tpu.memory_space<vmem>>) semaphore(%arg7 : memref<!tpu.dma_semaphore, #tpu.memory_space<semaphore_mem>>)
    %dma_start3A_82 = arith.constant 1280 : i32
    %dma_start3A_83 = arith.constant 0 : i32
    %dma_start3A_84 = tpu.memref_slice %arg6[%dma_start3A_82, %dma_start3A_83] : memref<1664x64xf32, #tpu.memory_space<vmem>> -> memref<128x64xf32, #tpu.memory_space<vmem>>
    %dma_start3A_85 = arith.constant 1280 : i32
    %dma_start3A_86 = tpu.memref_slice %arg5[%dma_start3A_85] : memref<3328xi32, #tpu.memory_space<vmem>> -> memref<128xi32, #tpu.memory_space<vmem>>
    %dma_start3A_87 = arith.constant 0 : i32
    %dma_start3A_88 = arith.constant 0 : i32
    %dma_start3A_89 = tpu.memref_slice %arg2[%dma_start3A_87, %dma_start3A_88] : memref<1000000x64xf32, #tpu.memory_space<hbm>> -> memref<1000000x64xf32, #tpu.memory_space<hbm>>
    tpu.enqueue_indirect_dma source(%dma_start3A_89 : memref<1000000x64xf32, #tpu.memory_space<hbm>>) target(%dma_start3A_84 : memref<128x64xf32, #tpu.memory_space<vmem>>) offsets(%dma_start3A_86 : memref<128xi32, #tpu.memory_space<vmem>>) semaphore(%arg7 : memref<!tpu.dma_semaphore, #tpu.memory_space<semaphore_mem>>)
    %dma_start3A_90 = arith.constant 1408 : i32
    %dma_start3A_91 = arith.constant 0 : i32
    %dma_start3A_92 = tpu.memref_slice %arg6[%dma_start3A_90, %dma_start3A_91] : memref<1664x64xf32, #tpu.memory_space<vmem>> -> memref<128x64xf32, #tpu.memory_space<vmem>>
    %dma_start3A_93 = arith.constant 1408 : i32
    %dma_start3A_94 = tpu.memref_slice %arg5[%dma_start3A_93] : memref<3328xi32, #tpu.memory_space<vmem>> -> memref<128xi32, #tpu.memory_space<vmem>>
    %dma_start3A_95 = arith.constant 0 : i32
    %dma_start3A_96 = arith.constant 0 : i32
    %dma_start3A_97 = tpu.memref_slice %arg2[%dma_start3A_95, %dma_start3A_96] : memref<1000000x64xf32, #tpu.memory_space<hbm>> -> memref<1000000x64xf32, #tpu.memory_space<hbm>>
    tpu.enqueue_indirect_dma source(%dma_start3A_97 : memref<1000000x64xf32, #tpu.memory_space<hbm>>) target(%dma_start3A_92 : memref<128x64xf32, #tpu.memory_space<vmem>>) offsets(%dma_start3A_94 : memref<128xi32, #tpu.memory_space<vmem>>) semaphore(%arg7 : memref<!tpu.dma_semaphore, #tpu.memory_space<semaphore_mem>>)
    %dma_start3A_98 = arith.constant 1536 : i32
    %dma_start3A_99 = arith.constant 0 : i32
    %dma_start3A_100 = tpu.memref_slice %arg6[%dma_start3A_98, %dma_start3A_99] : memref<1664x64xf32, #tpu.memory_space<vmem>> -> memref<128x64xf32, #tpu.memory_space<vmem>>
    %dma_start3A_101 = arith.constant 1536 : i32
    %dma_start3A_102 = tpu.memref_slice %arg5[%dma_start3A_101] : memref<3328xi32, #tpu.memory_space<vmem>> -> memref<128xi32, #tpu.memory_space<vmem>>
    %dma_start3A_103 = arith.constant 0 : i32
    %dma_start3A_104 = arith.constant 0 : i32
    %dma_start3A_105 = tpu.memref_slice %arg2[%dma_start3A_103, %dma_start3A_104] : memref<1000000x64xf32, #tpu.memory_space<hbm>> -> memref<1000000x64xf32, #tpu.memory_space<hbm>>
    tpu.enqueue_indirect_dma source(%dma_start3A_105 : memref<1000000x64xf32, #tpu.memory_space<hbm>>) target(%dma_start3A_100 : memref<128x64xf32, #tpu.memory_space<vmem>>) offsets(%dma_start3A_102 : memref<128xi32, #tpu.memory_space<vmem>>) semaphore(%arg7 : memref<!tpu.dma_semaphore, #tpu.memory_space<semaphore_mem>>)
    %add3A_106 = arith.constant 0 : i32
    %add3A_107 = arith.addi %mul3A_2, %add3A_106 : i32
    %dma_wait3A = arith.constant 0 : i32
    %dma_wait3A_108 = tpu.memref_slice %arg4[%add3A_107, %dma_wait3A] : memref<106496x64xf32, #tpu.memory_space<hbm>> -> memref<1664x64xf32, #tpu.memory_space<hbm>>
    %dma_wait3A_109 = arith.constant 0 : i32
    %dma_wait3A_110 = tpu.memref_slice %arg4[%add3A_107, %dma_wait3A_109] : memref<106496x64xf32, #tpu.memory_space<hbm>> -> memref<1664x64xf32, #tpu.memory_space<hbm>>
    tpu.wait_dma2 semaphore(%arg7 : memref<!tpu.dma_semaphore, #tpu.memory_space<semaphore_mem>>) src(%dma_wait3A_110 : memref<1664x64xf32, #tpu.memory_space<hbm>>) dst(%arg6 : memref<1664x64xf32, #tpu.memory_space<vmem>>)
    %add3A_111 = arith.constant 0 : i32
    %add3A_112 = arith.addi %mul3A_2, %add3A_111 : i32
    "tpu.region"() ({
      %run_scoped3A = tpu.sem_alloc : memref<!tpu.dma_semaphore, #tpu.memory_space<semaphore_mem>>
      %dma_start3A_225 = arith.constant 0 : i32
      %dma_start3A_226 = tpu.memref_slice %arg4[%add3A_112, %dma_start3A_225] : memref<106496x64xf32, #tpu.memory_space<hbm>> -> memref<1664x64xf32, #tpu.memory_space<hbm>>
      %dma_start3A_227 = arith.constant 0 : i32
      %dma_start3A_228 = tpu.memref_slice %arg4[%add3A_112, %dma_start3A_227] : memref<106496x64xf32, #tpu.memory_space<hbm>> -> memref<1664x64xf32, #tpu.memory_space<hbm>>
      tpu.enqueue_dma source(%arg6 : memref<1664x64xf32, #tpu.memory_space<vmem>>) target(%dma_start3A_228 : memref<1664x64xf32, #tpu.memory_space<hbm>>) target_semaphore(%run_scoped3A : memref<!tpu.dma_semaphore, #tpu.memory_space<semaphore_mem>>)
      %dma_wait3A_229 = arith.constant 0 : i32
      %dma_wait3A_230 = tpu.memref_slice %arg4[%add3A_112, %dma_wait3A_229] : memref<106496x64xf32, #tpu.memory_space<hbm>> -> memref<1664x64xf32, #tpu.memory_space<hbm>>
      %dma_wait3A_231 = arith.constant 0 : i32
      %dma_wait3A_232 = tpu.memref_slice %arg4[%add3A_112, %dma_wait3A_231] : memref<106496x64xf32, #tpu.memory_space<hbm>> -> memref<1664x64xf32, #tpu.memory_space<hbm>>
      tpu.wait_dma2 semaphore(%run_scoped3A : memref<!tpu.dma_semaphore, #tpu.memory_space<semaphore_mem>>) src(%arg6 : memref<1664x64xf32, #tpu.memory_space<vmem>>) dst(%dma_wait3A_232 : memref<1664x64xf32, #tpu.memory_space<hbm>>)
      tpu.yield
    }) : () -> ()
    %dma_start3A_113 = arith.constant 0 : i32
    %dma_start3A_114 = arith.constant 0 : i32
    %dma_start3A_115 = tpu.memref_slice %arg6[%dma_start3A_113, %dma_start3A_114] : memref<1664x64xf32, #tpu.memory_space<vmem>> -> memref<128x64xf32, #tpu.memory_space<vmem>>
    %dma_start3A_116 = arith.constant 1664 : i32
    %dma_start3A_117 = tpu.memref_slice %arg5[%dma_start3A_116] : memref<3328xi32, #tpu.memory_space<vmem>> -> memref<128xi32, #tpu.memory_space<vmem>>
    %dma_start3A_118 = arith.constant 0 : i32
    %dma_start3A_119 = arith.constant 0 : i32
    %dma_start3A_120 = tpu.memref_slice %arg2[%dma_start3A_118, %dma_start3A_119] : memref<1000000x64xf32, #tpu.memory_space<hbm>> -> memref<1000000x64xf32, #tpu.memory_space<hbm>>
    tpu.enqueue_indirect_dma source(%dma_start3A_120 : memref<1000000x64xf32, #tpu.memory_space<hbm>>) target(%dma_start3A_115 : memref<128x64xf32, #tpu.memory_space<vmem>>) offsets(%dma_start3A_117 : memref<128xi32, #tpu.memory_space<vmem>>) semaphore(%arg7 : memref<!tpu.dma_semaphore, #tpu.memory_space<semaphore_mem>>)
    %dma_start3A_121 = arith.constant 128 : i32
    %dma_start3A_122 = arith.constant 0 : i32
    %dma_start3A_123 = tpu.memref_slice %arg6[%dma_start3A_121, %dma_start3A_122] : memref<1664x64xf32, #tpu.memory_space<vmem>> -> memref<128x64xf32, #tpu.memory_space<vmem>>
    %dma_start3A_124 = arith.constant 1792 : i32
    %dma_start3A_125 = tpu.memref_slice %arg5[%dma_start3A_124] : memref<3328xi32, #tpu.memory_space<vmem>> -> memref<128xi32, #tpu.memory_space<vmem>>
    %dma_start3A_126 = arith.constant 0 : i32
    %dma_start3A_127 = arith.constant 0 : i32
    %dma_start3A_128 = tpu.memref_slice %arg2[%dma_start3A_126, %dma_start3A_127] : memref<1000000x64xf32, #tpu.memory_space<hbm>> -> memref<1000000x64xf32, #tpu.memory_space<hbm>>
    tpu.enqueue_indirect_dma source(%dma_start3A_128 : memref<1000000x64xf32, #tpu.memory_space<hbm>>) target(%dma_start3A_123 : memref<128x64xf32, #tpu.memory_space<vmem>>) offsets(%dma_start3A_125 : memref<128xi32, #tpu.memory_space<vmem>>) semaphore(%arg7 : memref<!tpu.dma_semaphore, #tpu.memory_space<semaphore_mem>>)
    %dma_start3A_129 = arith.constant 256 : i32
    %dma_start3A_130 = arith.constant 0 : i32
    %dma_start3A_131 = tpu.memref_slice %arg6[%dma_start3A_129, %dma_start3A_130] : memref<1664x64xf32, #tpu.memory_space<vmem>> -> memref<128x64xf32, #tpu.memory_space<vmem>>
    %dma_start3A_132 = arith.constant 1920 : i32
    %dma_start3A_133 = tpu.memref_slice %arg5[%dma_start3A_132] : memref<3328xi32, #tpu.memory_space<vmem>> -> memref<128xi32, #tpu.memory_space<vmem>>
    %dma_start3A_134 = arith.constant 0 : i32
    %dma_start3A_135 = arith.constant 0 : i32
    %dma_start3A_136 = tpu.memref_slice %arg2[%dma_start3A_134, %dma_start3A_135] : memref<1000000x64xf32, #tpu.memory_space<hbm>> -> memref<1000000x64xf32, #tpu.memory_space<hbm>>
    tpu.enqueue_indirect_dma source(%dma_start3A_136 : memref<1000000x64xf32, #tpu.memory_space<hbm>>) target(%dma_start3A_131 : memref<128x64xf32, #tpu.memory_space<vmem>>) offsets(%dma_start3A_133 : memref<128xi32, #tpu.memory_space<vmem>>) semaphore(%arg7 : memref<!tpu.dma_semaphore, #tpu.memory_space<semaphore_mem>>)
    %dma_start3A_137 = arith.constant 384 : i32
    %dma_start3A_138 = arith.constant 0 : i32
    %dma_start3A_139 = tpu.memref_slice %arg6[%dma_start3A_137, %dma_start3A_138] : memref<1664x64xf32, #tpu.memory_space<vmem>> -> memref<128x64xf32, #tpu.memory_space<vmem>>
    %dma_start3A_140 = arith.constant 2048 : i32
    %dma_start3A_141 = tpu.memref_slice %arg5[%dma_start3A_140] : memref<3328xi32, #tpu.memory_space<vmem>> -> memref<128xi32, #tpu.memory_space<vmem>>
    %dma_start3A_142 = arith.constant 0 : i32
    %dma_start3A_143 = arith.constant 0 : i32
    %dma_start3A_144 = tpu.memref_slice %arg2[%dma_start3A_142, %dma_start3A_143] : memref<1000000x64xf32, #tpu.memory_space<hbm>> -> memref<1000000x64xf32, #tpu.memory_space<hbm>>
    tpu.enqueue_indirect_dma source(%dma_start3A_144 : memref<1000000x64xf32, #tpu.memory_space<hbm>>) target(%dma_start3A_139 : memref<128x64xf32, #tpu.memory_space<vmem>>) offsets(%dma_start3A_141 : memref<128xi32, #tpu.memory_space<vmem>>) semaphore(%arg7 : memref<!tpu.dma_semaphore, #tpu.memory_space<semaphore_mem>>)
    %dma_start3A_145 = arith.constant 512 : i32
    %dma_start3A_146 = arith.constant 0 : i32
    %dma_start3A_147 = tpu.memref_slice %arg6[%dma_start3A_145, %dma_start3A_146] : memref<1664x64xf32, #tpu.memory_space<vmem>> -> memref<128x64xf32, #tpu.memory_space<vmem>>
    %dma_start3A_148 = arith.constant 2176 : i32
    %dma_start3A_149 = tpu.memref_slice %arg5[%dma_start3A_148] : memref<3328xi32, #tpu.memory_space<vmem>> -> memref<128xi32, #tpu.memory_space<vmem>>
    %dma_start3A_150 = arith.constant 0 : i32
    %dma_start3A_151 = arith.constant 0 : i32
    %dma_start3A_152 = tpu.memref_slice %arg2[%dma_start3A_150, %dma_start3A_151] : memref<1000000x64xf32, #tpu.memory_space<hbm>> -> memref<1000000x64xf32, #tpu.memory_space<hbm>>
    tpu.enqueue_indirect_dma source(%dma_start3A_152 : memref<1000000x64xf32, #tpu.memory_space<hbm>>) target(%dma_start3A_147 : memref<128x64xf32, #tpu.memory_space<vmem>>) offsets(%dma_start3A_149 : memref<128xi32, #tpu.memory_space<vmem>>) semaphore(%arg7 : memref<!tpu.dma_semaphore, #tpu.memory_space<semaphore_mem>>)
    %dma_start3A_153 = arith.constant 640 : i32
    %dma_start3A_154 = arith.constant 0 : i32
    %dma_start3A_155 = tpu.memref_slice %arg6[%dma_start3A_153, %dma_start3A_154] : memref<1664x64xf32, #tpu.memory_space<vmem>> -> memref<128x64xf32, #tpu.memory_space<vmem>>
    %dma_start3A_156 = arith.constant 2304 : i32
    %dma_start3A_157 = tpu.memref_slice %arg5[%dma_start3A_156] : memref<3328xi32, #tpu.memory_space<vmem>> -> memref<128xi32, #tpu.memory_space<vmem>>
    %dma_start3A_158 = arith.constant 0 : i32
    %dma_start3A_159 = arith.constant 0 : i32
    %dma_start3A_160 = tpu.memref_slice %arg2[%dma_start3A_158, %dma_start3A_159] : memref<1000000x64xf32, #tpu.memory_space<hbm>> -> memref<1000000x64xf32, #tpu.memory_space<hbm>>
    tpu.enqueue_indirect_dma source(%dma_start3A_160 : memref<1000000x64xf32, #tpu.memory_space<hbm>>) target(%dma_start3A_155 : memref<128x64xf32, #tpu.memory_space<vmem>>) offsets(%dma_start3A_157 : memref<128xi32, #tpu.memory_space<vmem>>) semaphore(%arg7 : memref<!tpu.dma_semaphore, #tpu.memory_space<semaphore_mem>>)
    %dma_start3A_161 = arith.constant 768 : i32
    %dma_start3A_162 = arith.constant 0 : i32
    %dma_start3A_163 = tpu.memref_slice %arg6[%dma_start3A_161, %dma_start3A_162] : memref<1664x64xf32, #tpu.memory_space<vmem>> -> memref<128x64xf32, #tpu.memory_space<vmem>>
    %dma_start3A_164 = arith.constant 2432 : i32
    %dma_start3A_165 = tpu.memref_slice %arg5[%dma_start3A_164] : memref<3328xi32, #tpu.memory_space<vmem>> -> memref<128xi32, #tpu.memory_space<vmem>>
    %dma_start3A_166 = arith.constant 0 : i32
    %dma_start3A_167 = arith.constant 0 : i32
    %dma_start3A_168 = tpu.memref_slice %arg2[%dma_start3A_166, %dma_start3A_167] : memref<1000000x64xf32, #tpu.memory_space<hbm>> -> memref<1000000x64xf32, #tpu.memory_space<hbm>>
    tpu.enqueue_indirect_dma source(%dma_start3A_168 : memref<1000000x64xf32, #tpu.memory_space<hbm>>) target(%dma_start3A_163 : memref<128x64xf32, #tpu.memory_space<vmem>>) offsets(%dma_start3A_165 : memref<128xi32, #tpu.memory_space<vmem>>) semaphore(%arg7 : memref<!tpu.dma_semaphore, #tpu.memory_space<semaphore_mem>>)
    %dma_start3A_169 = arith.constant 896 : i32
    %dma_start3A_170 = arith.constant 0 : i32
    %dma_start3A_171 = tpu.memref_slice %arg6[%dma_start3A_169, %dma_start3A_170] : memref<1664x64xf32, #tpu.memory_space<vmem>> -> memref<128x64xf32, #tpu.memory_space<vmem>>
    %dma_start3A_172 = arith.constant 2560 : i32
    %dma_start3A_173 = tpu.memref_slice %arg5[%dma_start3A_172] : memref<3328xi32, #tpu.memory_space<vmem>> -> memref<128xi32, #tpu.memory_space<vmem>>
    %dma_start3A_174 = arith.constant 0 : i32
    %dma_start3A_175 = arith.constant 0 : i32
    %dma_start3A_176 = tpu.memref_slice %arg2[%dma_start3A_174, %dma_start3A_175] : memref<1000000x64xf32, #tpu.memory_space<hbm>> -> memref<1000000x64xf32, #tpu.memory_space<hbm>>
    tpu.enqueue_indirect_dma source(%dma_start3A_176 : memref<1000000x64xf32, #tpu.memory_space<hbm>>) target(%dma_start3A_171 : memref<128x64xf32, #tpu.memory_space<vmem>>) offsets(%dma_start3A_173 : memref<128xi32, #tpu.memory_space<vmem>>) semaphore(%arg7 : memref<!tpu.dma_semaphore, #tpu.memory_space<semaphore_mem>>)
    %dma_start3A_177 = arith.constant 1024 : i32
    %dma_start3A_178 = arith.constant 0 : i32
    %dma_start3A_179 = tpu.memref_slice %arg6[%dma_start3A_177, %dma_start3A_178] : memref<1664x64xf32, #tpu.memory_space<vmem>> -> memref<128x64xf32, #tpu.memory_space<vmem>>
    %dma_start3A_180 = arith.constant 2688 : i32
    %dma_start3A_181 = tpu.memref_slice %arg5[%dma_start3A_180] : memref<3328xi32, #tpu.memory_space<vmem>> -> memref<128xi32, #tpu.memory_space<vmem>>
    %dma_start3A_182 = arith.constant 0 : i32
    %dma_start3A_183 = arith.constant 0 : i32
    %dma_start3A_184 = tpu.memref_slice %arg2[%dma_start3A_182, %dma_start3A_183] : memref<1000000x64xf32, #tpu.memory_space<hbm>> -> memref<1000000x64xf32, #tpu.memory_space<hbm>>
    tpu.enqueue_indirect_dma source(%dma_start3A_184 : memref<1000000x64xf32, #tpu.memory_space<hbm>>) target(%dma_start3A_179 : memref<128x64xf32, #tpu.memory_space<vmem>>) offsets(%dma_start3A_181 : memref<128xi32, #tpu.memory_space<vmem>>) semaphore(%arg7 : memref<!tpu.dma_semaphore, #tpu.memory_space<semaphore_mem>>)
    %dma_start3A_185 = arith.constant 1152 : i32
    %dma_start3A_186 = arith.constant 0 : i32
    %dma_start3A_187 = tpu.memref_slice %arg6[%dma_start3A_185, %dma_start3A_186] : memref<1664x64xf32, #tpu.memory_space<vmem>> -> memref<128x64xf32, #tpu.memory_space<vmem>>
    %dma_start3A_188 = arith.constant 2816 : i32
    %dma_start3A_189 = tpu.memref_slice %arg5[%dma_start3A_188] : memref<3328xi32, #tpu.memory_space<vmem>> -> memref<128xi32, #tpu.memory_space<vmem>>
    %dma_start3A_190 = arith.constant 0 : i32
    %dma_start3A_191 = arith.constant 0 : i32
    %dma_start3A_192 = tpu.memref_slice %arg2[%dma_start3A_190, %dma_start3A_191] : memref<1000000x64xf32, #tpu.memory_space<hbm>> -> memref<1000000x64xf32, #tpu.memory_space<hbm>>
    tpu.enqueue_indirect_dma source(%dma_start3A_192 : memref<1000000x64xf32, #tpu.memory_space<hbm>>) target(%dma_start3A_187 : memref<128x64xf32, #tpu.memory_space<vmem>>) offsets(%dma_start3A_189 : memref<128xi32, #tpu.memory_space<vmem>>) semaphore(%arg7 : memref<!tpu.dma_semaphore, #tpu.memory_space<semaphore_mem>>)
    %dma_start3A_193 = arith.constant 1280 : i32
    %dma_start3A_194 = arith.constant 0 : i32
    %dma_start3A_195 = tpu.memref_slice %arg6[%dma_start3A_193, %dma_start3A_194] : memref<1664x64xf32, #tpu.memory_space<vmem>> -> memref<128x64xf32, #tpu.memory_space<vmem>>
    %dma_start3A_196 = arith.constant 2944 : i32
    %dma_start3A_197 = tpu.memref_slice %arg5[%dma_start3A_196] : memref<3328xi32, #tpu.memory_space<vmem>> -> memref<128xi32, #tpu.memory_space<vmem>>
    %dma_start3A_198 = arith.constant 0 : i32
    %dma_start3A_199 = arith.constant 0 : i32
    %dma_start3A_200 = tpu.memref_slice %arg2[%dma_start3A_198, %dma_start3A_199] : memref<1000000x64xf32, #tpu.memory_space<hbm>> -> memref<1000000x64xf32, #tpu.memory_space<hbm>>
    tpu.enqueue_indirect_dma source(%dma_start3A_200 : memref<1000000x64xf32, #tpu.memory_space<hbm>>) target(%dma_start3A_195 : memref<128x64xf32, #tpu.memory_space<vmem>>) offsets(%dma_start3A_197 : memref<128xi32, #tpu.memory_space<vmem>>) semaphore(%arg7 : memref<!tpu.dma_semaphore, #tpu.memory_space<semaphore_mem>>)
    %dma_start3A_201 = arith.constant 1408 : i32
    %dma_start3A_202 = arith.constant 0 : i32
    %dma_start3A_203 = tpu.memref_slice %arg6[%dma_start3A_201, %dma_start3A_202] : memref<1664x64xf32, #tpu.memory_space<vmem>> -> memref<128x64xf32, #tpu.memory_space<vmem>>
    %dma_start3A_204 = arith.constant 3072 : i32
    %dma_start3A_205 = tpu.memref_slice %arg5[%dma_start3A_204] : memref<3328xi32, #tpu.memory_space<vmem>> -> memref<128xi32, #tpu.memory_space<vmem>>
    %dma_start3A_206 = arith.constant 0 : i32
    %dma_start3A_207 = arith.constant 0 : i32
    %dma_start3A_208 = tpu.memref_slice %arg2[%dma_start3A_206, %dma_start3A_207] : memref<1000000x64xf32, #tpu.memory_space<hbm>> -> memref<1000000x64xf32, #tpu.memory_space<hbm>>
    tpu.enqueue_indirect_dma source(%dma_start3A_208 : memref<1000000x64xf32, #tpu.memory_space<hbm>>) target(%dma_start3A_203 : memref<128x64xf32, #tpu.memory_space<vmem>>) offsets(%dma_start3A_205 : memref<128xi32, #tpu.memory_space<vmem>>) semaphore(%arg7 : memref<!tpu.dma_semaphore, #tpu.memory_space<semaphore_mem>>)
    %dma_start3A_209 = arith.constant 1536 : i32
    %dma_start3A_210 = arith.constant 0 : i32
    %dma_start3A_211 = tpu.memref_slice %arg6[%dma_start3A_209, %dma_start3A_210] : memref<1664x64xf32, #tpu.memory_space<vmem>> -> memref<128x64xf32, #tpu.memory_space<vmem>>
    %dma_start3A_212 = arith.constant 3200 : i32
    %dma_start3A_213 = tpu.memref_slice %arg5[%dma_start3A_212] : memref<3328xi32, #tpu.memory_space<vmem>> -> memref<128xi32, #tpu.memory_space<vmem>>
    %dma_start3A_214 = arith.constant 0 : i32
    %dma_start3A_215 = arith.constant 0 : i32
    %dma_start3A_216 = tpu.memref_slice %arg2[%dma_start3A_214, %dma_start3A_215] : memref<1000000x64xf32, #tpu.memory_space<hbm>> -> memref<1000000x64xf32, #tpu.memory_space<hbm>>
    tpu.enqueue_indirect_dma source(%dma_start3A_216 : memref<1000000x64xf32, #tpu.memory_space<hbm>>) target(%dma_start3A_211 : memref<128x64xf32, #tpu.memory_space<vmem>>) offsets(%dma_start3A_213 : memref<128xi32, #tpu.memory_space<vmem>>) semaphore(%arg7 : memref<!tpu.dma_semaphore, #tpu.memory_space<semaphore_mem>>)
    %add3A_217 = arith.constant 1664 : i32
    %add3A_218 = arith.addi %mul3A_2, %add3A_217 : i32
    %dma_wait3A_219 = arith.constant 0 : i32
    %dma_wait3A_220 = tpu.memref_slice %arg4[%add3A_218, %dma_wait3A_219] : memref<106496x64xf32, #tpu.memory_space<hbm>> -> memref<1664x64xf32, #tpu.memory_space<hbm>>
    %dma_wait3A_221 = arith.constant 0 : i32
    %dma_wait3A_222 = tpu.memref_slice %arg4[%add3A_218, %dma_wait3A_221] : memref<106496x64xf32, #tpu.memory_space<hbm>> -> memref<1664x64xf32, #tpu.memory_space<hbm>>
    tpu.wait_dma2 semaphore(%arg7 : memref<!tpu.dma_semaphore, #tpu.memory_space<semaphore_mem>>) src(%dma_wait3A_222 : memref<1664x64xf32, #tpu.memory_space<hbm>>) dst(%arg6 : memref<1664x64xf32, #tpu.memory_space<vmem>>)
    %add3A_223 = arith.constant 1664 : i32
    %add3A_224 = arith.addi %mul3A_2, %add3A_223 : i32
    "tpu.region"() ({
      %run_scoped3A = tpu.sem_alloc : memref<!tpu.dma_semaphore, #tpu.memory_space<semaphore_mem>>
      %dma_start3A_225 = arith.constant 0 : i32
      %dma_start3A_226 = tpu.memref_slice %arg4[%add3A_224, %dma_start3A_225] : memref<106496x64xf32, #tpu.memory_space<hbm>> -> memref<1664x64xf32, #tpu.memory_space<hbm>>
      %dma_start3A_227 = arith.constant 0 : i32
      %dma_start3A_228 = tpu.memref_slice %arg4[%add3A_224, %dma_start3A_227] : memref<106496x64xf32, #tpu.memory_space<hbm>> -> memref<1664x64xf32, #tpu.memory_space<hbm>>
      tpu.enqueue_dma source(%arg6 : memref<1664x64xf32, #tpu.memory_space<vmem>>) target(%dma_start3A_228 : memref<1664x64xf32, #tpu.memory_space<hbm>>) target_semaphore(%run_scoped3A : memref<!tpu.dma_semaphore, #tpu.memory_space<semaphore_mem>>)
      %dma_wait3A_229 = arith.constant 0 : i32
      %dma_wait3A_230 = tpu.memref_slice %arg4[%add3A_224, %dma_wait3A_229] : memref<106496x64xf32, #tpu.memory_space<hbm>> -> memref<1664x64xf32, #tpu.memory_space<hbm>>
      %dma_wait3A_231 = arith.constant 0 : i32
      %dma_wait3A_232 = tpu.memref_slice %arg4[%add3A_224, %dma_wait3A_231] : memref<106496x64xf32, #tpu.memory_space<hbm>> -> memref<1664x64xf32, #tpu.memory_space<hbm>>
      tpu.wait_dma2 semaphore(%run_scoped3A : memref<!tpu.dma_semaphore, #tpu.memory_space<semaphore_mem>>) src(%arg6 : memref<1664x64xf32, #tpu.memory_space<vmem>>) dst(%dma_wait3A_232 : memref<1664x64xf32, #tpu.memory_space<hbm>>)
      tpu.yield
    }) : () -> ()
    return
  }
}

</mosaic_0001>

<sc_bundles>
// kernel: kernel.3.cloned.1.call-start
scs
__scs_entry_jumppad:
0x0: {  	(pc) =	sbr.rel $0x88, $3  }
0x1: {  	(tag) =	ssettag $0x0;
	lr =	simm.s32 $0x1  }
0x2: {  	[smem:$0x3F9F] =	sst lr;
	_ =	strace $0xD0000000  }
0x3: {  	_ = 	snop  }
0x4: {  	_ = 	snop  }
0x5: {  	_ = 	snop  }
0x6: {  	_ = 	snop  }
0x7: {  	_ = 	snop  }
__scs_overlays_trampoline_lowered:
0x8: {  	[smem:$0x3FAE] =	sst s0  }
0x9: {  	[smem:$0x3FAF] =	sst s1  }
0xa: {  	[smem:$0x3FB0] =	sst s2  }
0xb: {  	[smem:$0x3FB1] =	sst s3  }
0xc: {  	[smem:$0x3FB2] =	sst s4  }
0xd: {  	[smem:$0x3FB3] =	sst s5  }
0xe: {  	[smem:$0x3FB4] =	sst s6  }
0xf: {  	[smem:$0x3FB5] =	sst s7  }
0x10: {  	[smem:$0x3FB6] =	sst s8  }
0x11: {  	[smem:$0x3FB7] =	sst s9;
	s0 =	simm.s32 @!p0 $0x0  }
0x12: {  	s1 =	sld [smem:$0x3F9D];
	s0 =	simm.s32 @p0 $0x1  }
0x13: {  	[smem:$0x3FB8] =	sst s0;
	s0 =	simm.s32 @!p1 $0x0  }
0x14: {  	s2 =	sld [smem:$0x3F9C];
	s0 =	simm.s32 @p1 $0x1  }
0x15: {  	[smem:$0x3FB9] =	sst s0;
	s0 =	simm.s32 @!p2 $0x0  }
0x16: {  	s3 =	sld [smem:$0x3FDB];
	s0 =	simm.s32 @p2 $0x1  }
0x17: {  	s4 =	simm.s32 $0x1BF5;
	[smem:$0x3FBB] =	sst s0  }
0x18: {  	s0 =	sld [smem:$0x3F9E];
	_ =	swait.ge [sflag:s4], $0x0  }
0x19: {  	s7 =	sld [smem:$0x3F9F]  }
0x1a: {  	s8 =	sadd.s32 $0xFFFFE003, lr  }
0x1b: {  	s9 =	sadd.s32 $0xFFFFFEF7, lr;
	s5 =	simm.s32 $0xFFFFFFFF;
	p2 =	slt.u32 s8, $0xFFFFF086  }
0x1c: {  	p1 =	slt.u32 s9, $0xF7A;
	s5 =	simm.s32 @!p2 $0x0  }
0x1d: {  	s5 =	simm.s32 @p1 $0x1;
	p0 =	seq.s32 s7, s2  }
0x1e: {  	s7 =	smul.u32 @!p0 $0xF7A, s2;
	p2 =	seq.s32 @!p0 s5, $0x0  }
0x1f: {  	s9 =	smul.u32 $0xF7A, s1;
	s8 =	simm.s32 @!p0 $0x1BF5;
	p2 =	por !p2, p0  }
0x20: {  	[sflag:s8] =	ssyncset.s32 @!p0 $0xFFFFF086;
	s6 =	sadd.s32 @!p0 s3, s7;
	s7 =	simm.s32 @!p0 $0x108  }
0x21: {  	s3 =	sadd.s32 s3, s9;
	s6 =	sadd.s32 @!p0 $0x88, s6;
	s7 =	simm.s32 @p2 $0x1082  }
0x22: {  	[simem:s7], [sflag:s8] =	dma.local @!p0 [hbm:s6], $0xF7A  }
0x23: {  	s9 =	sor.u32 $0xD0000000, s2;
	s6 =	simm.s32 $0x108;
	_ =	swait.ge @!p0 [sflag:s8], $0x0  }
0x24: {  	s3 =	sadd.s32 $0x88, s3;
	s6 =	simm.s32 @!p1 $0x1082;
	[sflag:s4] =	ssyncset.s32 $0xFFFFF086  }
0x25: {  	[simem:s6], [sflag:s4] =	dma.local [hbm:s3], $0xF7A  }
0x26: {  	[smem:$0x3F9F] =	sst s1;
	(tag) =	ssettag s2;
	_ =	strace s9  }
0x27: {  	s1 =	sld [smem:$0x3FAF]  }
0x28: {  	s2 =	sld [smem:$0x3FB0]  }
0x29: {  	s4 =	sld [smem:$0x3FB2]  }
0x2a: {  	p0 =	seq.s32 s5, $0x0;
	s5 =	sld [smem:$0x3FB3]  }
0x2b: {  	s6 =	sld [smem:$0x3FB4]  }
0x2c: {  	s7 =	sld [smem:$0x3FB5]  }
0x2d: {  	s3 =	simm.s32 $0x108;
	s8 =	sld [smem:$0x3FB6]  }
0x2e: {  	s3 =	simm.s32 @!p0 $0x1082;
	s9 =	sld [smem:$0x3FB7]  }
0x2f: {  	lr =	sadd.s32 s0, s3;
	s0 =	sld [smem:$0x3FAE]  }
0x30: {  	s3 =	sld [smem:$0x3FB1]  }
0x31: {  	[smem:$0x3FBA] =	sst s10  }
0x32: {  	s10 =	sld [smem:$0x3FB8];
	_ =	sdelay $0x3  }
0x33: {  	p0 =	seq.s32 s10, $0x1;
	s10 =	sld [smem:$0x3FBA];
	_ =	sdelay $0x3  }
0x34: {  	[smem:$0x3FBA] =	sst s10  }
0x35: {  	s10 =	sld [smem:$0x3FB9];
	_ =	sdelay $0x3  }
0x36: {  	p1 =	seq.s32 s10, $0x1;
	s10 =	sld [smem:$0x3FBA];
	_ =	sdelay $0x3  }
0x37: {  	[smem:$0x3FBA] =	sst s10  }
0x38: {  	s10 =	sld [smem:$0x3FBB]  }
0x39: {  	_ = 	snop;
	(pc) =	sbr.ind lr, $3  }
0x3a: {  	_ = 	snop  }
0x3b: {  	_ = 	snop  }
0x3c: {  	p2 =	seq.s32 s10, $0x1;
	s10 =	sld [smem:$0x3FBA]  }
0x3d: {  	_ =	shalt  }
0x3e: {  	_ =	shalt  }
0x3f: {  	_ =	shalt  }
0x40: {  	_ =	shalt  }
0x41: {  	_ =	shalt  }
0x42: {  	_ =	shalt  }
0x43: {  	_ =	shalt  }
0x44: {  	_ =	shalt  }
0x45: {  	_ =	shalt  }
0x46: {  	_ =	shalt  }
0x47: {  	_ =	shalt  }
0x48: {  	_ =	shalt  }
0x49: {  	_ =	shalt  }
0x4a: {  	_ =	shalt  }
0x4b: {  	_ =	shalt  }
0x4c: {  	_ =	shalt  }
0x4d: {  	_ =	shalt  }
0x4e: {  	_ =	shalt  }
0x4f: {  	_ =	shalt  }
0x50: {  	_ =	shalt  }
0x51: {  	_ =	shalt  }
0x52: {  	_ =	shalt  }
0x53: {  	_ =	shalt  }
0x54: {  	_ =	shalt  }
0x55: {  	_ =	shalt  }
0x56: {  	_ =	shalt  }
0x57: {  	_ =	shalt  }
0x58: {  	_ =	shalt  }
0x59: {  	_ =	shalt  }
0x5a: {  	_ =	shalt  }
0x5b: {  	_ =	shalt  }
0x5c: {  	_ =	shalt  }
0x5d: {  	_ =	shalt  }
0x5e: {  	_ =	shalt  }
0x5f: {  	_ =	shalt  }
0x60: {  	_ =	shalt  }
0x61: {  	_ =	shalt  }
0x62: {  	_ =	shalt  }
0x63: {  	_ =	shalt  }
0x64: {  	_ =	shalt  }
0x65: {  	_ =	shalt  }
0x66: {  	_ =	shalt  }
0x67: {  	_ =	shalt  }
0x68: {  	_ =	shalt  }
0x69: {  	_ =	shalt  }
0x6a: {  	_ =	shalt  }
0x6b: {  	_ =	shalt  }
0x6c: {  	_ =	shalt  }
0x6d: {  	_ =	shalt  }
0x6e: {  	_ =	shalt  }
0x6f: {  	_ =	shalt  }
0x70: {  	_ =	shalt  }
0x71: {  	_ =	shalt  }
0x72: {  	_ =	shalt  }
0x73: {  	_ =	shalt  }
0x74: {  	_ =	shalt  }
0x75: {  	_ =	shalt  }
0x76: {  	_ =	shalt  }
0x77: {  	_ =	shalt  }
0x78: {  	_ =	shalt  }
0x79: {  	_ =	shalt  }
0x7a: {  	_ =	shalt  }
0x7b: {  	_ =	shalt  }
0x7c: {  	_ =	shalt  }
0x7d: {  	_ =	shalt  }
0x7e: {  	_ =	shalt  }
0x7f: {  	_ =	shalt  }
0x80: {  	_ =	shalt  }
0x81: {  	_ =	shalt  }
0x82: {  	_ =	shalt  }
0x83: {  	_ =	shalt  }
0x84: {  	_ =	shalt  }
0x85: {  	_ =	shalt  }
0x86: {  	_ =	shalt  }
0x87: {  	_ =	shalt  }
.Lfunc_end0:
.L_simem_size_0:
called_computation_lowered:
.L_overlay_start_0:
0x88: {  	s2 =	sld [smem:$0x3FD9]  }
0x89: {  	s3 =	sld [smem:$0x3FFE];
	_ =	sdelay $0x1  }
0x8a: {  	s1 =	srdreg.scid  }
0x8b: {  	s0 =	sand.u32 $0x1, s1  }
0x8c: {  	s17 =	sshll.u32 s0, $0xA;
	s2 =	sadd.s32 s3, s2  }
0x8d: {  	s2 =	sadd.s32 s2, s17  }
0x8e: {  	[smem:$0x3FC6] =	sst s2  }
0x8f: {  	_ = 	snop  }
0x90: {  	s2 =	sld [smem:$0x3FC9]  }
0x91: {  	s18 =	sld [smem:$0x3FD0];
	(tm) =	ssettm $0x1  }
0x92: {  	s4 =	sld [smem:$0x3FFB];
	_ =	sdelay $0x3  }
0x93: {  	_ =	strace s4  }
0x94: {  	s4 =	sld [smem:$0x3FFC];
	_ =	sdelay $0x3  }
0x95: {  	_ =	strace s4  }
0x96: {  	s4 =	sld [smem:$0x3FFD];
	_ =	sdelay $0x3  }
0x97: {  	_ =	strace s4  }
0x98: {  	_ =	strace $0x8FFFFFFF  }
0x99: {  	s19 =	sld [smem:$0x3FDB];
	_ =	sdelay $0x1  }
0x9a: {  	s5 =	simm.s32 $_scs_section_size  }
0x9b: {  	s6 =	simm.s32 $_size__tile_overlayer_lowered;
	s7 =	simm.s32 $_tile_overlayer_lowered  }
0x9c: {  	s22 =	simm.s32 $0x1BFF;
	s21 =	sshll.u32 s7, $0x1;
	s4 =	sadd.s32 s5, s19  }
0x9d: {  	s8 =	simm.s32 $0x0;
	s20 =	sshll.u32 s6, $0x1;
	s6 =	sadd.s32 s21, s4  }
0x9e: {  	[timem:s8], [sflag:s22] =	dma.local [hbm:s6], s20  }
0x9f: {  	_ =	swait.ge [sflag:s22], s20  }
0xa0: {  	s5 =	ssub.s32 $0x0, s20;
	[sflag:s22] =	ssyncset.done $0x0  }
0xa1: {  	[sflag:s22] =	ssyncadd.s32 s5;
	_ =	sdelay $0x1  }
0xa2: {  	s23 =	simm.s32 $0x1B8B  }
0xa3: {  	_ =	swait.ge [sflag:s23], $0x1  }
0xa4: {  	[sflag:s23] =	ssyncset.done $0x0  }
0xa5: {  	s25 =	simm.s32 $0x1B8E;
	s24 =	sld [smem:$0x3FFE];
	[sflag:s23] =	ssyncadd.s32 $0xFFFFFFFF  }
0xa6: {  	s26 =	simm.s32 $execute0_lowered;
	[smem:$0x3FD2] =	sst s25  }
0xa7: {  	s6 =	sshll.u32 s26, $0x1;
	_ =	strace $0x80000046;
	[dreg:$0x1] =	wrdreg $0xFFFFFFFF  }
0xa8: {  	s28 =	simm.s32 $_size_execute0_lowered;
	s4 =	sadd.s32 s4, s6;
	[dreg:$0x0] =	wrdreg $0x0  }
0xa9: {  	s6 =	sshll.u32 s28, $0x1;
	[dreg:$0x2] =	wrdreg s4  }
0xaa: {  	[dreg:$0x3] =	wrdreg s6  }
0xab: {  	[dreg:$0x4] =	wrdreg $0xC0  }
0xac: {  	_ =	task [dreg:s8], $0x5FFFF  }
0xad: {  	[dreg:$0x1] =	wrdreg $0xFFFFFFFF  }
0xae: {  	[dreg:$0x0] =	wrdreg $0x60  }
0xaf: {  	[dreg:$0x2] =	wrdreg s24  }
0xb0: {  	[dreg:$0x3] =	wrdreg s2  }
0xb1: {  	[dreg:$0x4] =	wrdreg s18  }
0xb2: {  	[dreg:$0x5] =	wrdreg $0x9  }
0xb3: {  	_ =	task.clear_ibuf [dreg:s8], $0x6FFFF;
	_ =	strace $0x90000046  }
0xb4: {  	s29 =	simm.s32 $0x9;
	_ =	strace $0x80000048  }
0xb5: {  	_ =	swait.ge [sflag:s29], $0x1  }
0xb6: {  	[sflag:s29] =	ssyncadd.s32 $0xFFFFFFFF  }
0xb7: {  	_ =	strace $0x90000048  }
0xb8: {  	_ =	sfence  }
0xb9: {  	s30 =	sld [smem:$0x0];
	_ =	sdelay $0x2  }
0xba: {  	s31 =	sshll.u32 s1, $0xD;
	s1 =	sshrl.u32 s1, $0x2  }
0xbb: {  	s3 =	sand.u32 $0x4000, s31;
	s1 =	sadd.s32 s1, s30  }
0xbc: {  	s0 =	sor.u32 s3, s0;
	s1 =	sshll.u32 s1, $0x11  }
0xbd: {  	s0 =	sor.u32 s1, s0  }
0xbe: {  	s0 =	sadd.s32 $0x8F2B, s0  }
0xbf: {  	[sflag:s0] =	ssyncadd.remote.s32 $0x1  }
0xc0: {  	_ =	sfence.sel $0xFFFF  }
0xc1: {  	[dreg:$0x0] =	wrdreg $0xFFFFFFFF;
	(pc) =	sbr.abs _section_cstart, $3  }
0xc2: {  	[dreg:$0x1] =	wrdreg $0xFFFFFFFF  }
0xc3: {  	_ =	task.clear_ibuf [dreg:s8], $0x2FFFF;
	_ =	strace $0x9FFFFFFF  }
0xc4: {  	(tm) =	ssettm $0x7FFFFFFF  }
0xc5: {  	_ =	shalt  }
tec
execute0_lowered:
.L_overlay_start_1:
0x0: {  	(tag) =	ssettag $0x1  }
0x1: {  	s0 =	rddreg [dreg:$0x0]  }
0x2: {  	s1 =	srdreg.scid;
	s3 =	rddreg [dreg:$0x1]  }
0x3: {  	s20 =	stileid.u32;
	s4 =	rddreg [dreg:$0x2];
	s13 =	simm.s32 $0x100  }
0x4: {  	s14 =	simm.s32 $0x180;
	s15 =	simm.s32 $0x200;
	s16 =	simm.s32 $0x280  }
0x5: {  	s9 =	simm.s32 $0x6D00;
	s1 =	sand.u32 $0x1, s1;
	s2 =	sshll.u32 s20, $0x1  }
0x6: {  	s17 =	simm.s32 $0x300;
	s5 =	sor.u32 s1, s2;
	s2 =	simm.s32 $0x0  }
0x7: {  	s18 =	simm.s32 $0x380;
	s19 =	simm.s32 $0x400;
	[smem:$0x7FF] =	sst s2  }
0x8: {  	s21 =	simm.s32 $0x480;
	_ =	strace $0x80000047;
	[dreg:$0x7] =	wrdreg s13  }
0x9: {  	s22 =	simm.s32 $0x500;
	s23 =	simm.s32 $0x580;
	[dreg:$0x8] =	wrdreg s14  }
0xa: {  	s24 =	simm.s32 $0x600;
	s25 =	simm.s32 $0x680;
	[dreg:$0x9] =	wrdreg s15  }
0xb: {  	s26 =	simm.s32 $0x700;
	p0 =	por $0x0, $0x0;
	[dreg:$0xa] =	wrdreg s16  }
0xc: {  	s28 =	simm.s32 $0xA80;
	s29 =	simm.s32 $0xB00;
	[dreg:$0xb] =	wrdreg s17  }
0xd: {  	s30 =	simm.s32 $0xB80;
	s31 =	simm.s32 $0xC00;
	[dreg:$0xc] =	wrdreg s18  }
0xe: {  	s1 =	ssub.s32 $0x2, s1;
	s6 =	smul.u32 $0x1A0, s5;
	[dreg:$0xd] =	wrdreg s19  }
0xf: {  	s7 =	smul.u32 $0x34000, s5;
	s8 =	sshrl.u32 s1, $0x1;
	[dreg:$0xe] =	wrdreg s21  }
0x10: {  	s5 =	smul.u32 $0x6800, s5;
	s1 =	ssub.s32 s1, s8;
	[dreg:$0xf] =	wrdreg s22  }
0x11: {  	s8 =	simm.s32 $0x4D00;
	s13 =	simm.s32 $0xED00;
	[dreg:$0x10] =	wrdreg s23  }
0x12: {  	s14 =	simm.s32 $0x10D00;
	s15 =	simm.s32 $0x12D00;
	[dreg:$0x11] =	wrdreg s24  }
0x13: {  	s16 =	simm.s32 $0x14D00;
	s18 =	simm.s32 $0x16D00;
	[dreg:$0x12] =	wrdreg s25  }
0x14: {  	s19 =	simm.s32 $0x18D00;
	s17 =	simm.s32 $0x1;
	[dreg:$0x13] =	wrdreg s26  }
0x15: {  	s22 =	simm.s32 $0x800;
	s23 =	simm.s32 $0x880;
	s10 =	sshrl.u32 s7, $0x3  }
0x16: {  	s24 =	simm.s32 $0x900;
	s11 =	sadd.s32 s4, s5;
	s4 =	sadd.s32 s4, s10  }
0x17: {  	s12 =	sadd.s32 $0x3400, s4;
	s4 =	sadd.s32 $0xF42800, s0;
	s0 =	smax.u32 s1, $0x1  }
0x18: {  	s25 =	simm.s32 $0x980;
	s26 =	simm.s32 $0xA00;
	p1 =	sne.s32 s0, $0x1  }
.Ltmp0:
0x19: {  	s21 =	simm.s32 $0xC80;
	s3 =	sadd.s32 s3, s6;
	(pc) =	sbr.rel @!p1 .LBB2_1-.Ltmp0, $4  }
0x1a: {  	s6 =	simm.s32 $0x80;
	s5 =	simm.s32 $0xD00;
	[dreg:$0x4] =	wrdreg s3  }
0x1b: {  	s7 =	simm.s32 $0x2D00;
	[dreg:$0x5] =	wrdreg s11;
	s3 =	simm.s32 $0x2  }
0x1c: {  	s10 =	simm.s32 $0x8D00;
	s11 =	simm.s32 $0xAD00;
	[dreg:$0x6] =	wrdreg s12  }
0x1d: {  	s12 =	simm.s32 $0xCD00;
	s1 =	sadd.s32 $0xFFFFFFFF, s0;
	s0 =	rddreg [dreg:$0x4]  }
0x1e: {  	[tilespmem:s2], [sflag:$0x2] =	stream.linear.gather [hbm4b:s0+s2], $0xD00, $0x38;
	[tilespmem:$0x1AD00] =	vst v63  }
0x1f: {  	_ =	swait.ge [sflag:s3], $0xD00  }
0x20: {  	[sflag:s3] =	ssyncset.done $0x0  }
0x21: {  	[sflag:s3] =	ssyncadd.s32 $0xFFFFF300  }
0x22: {  	[tilespmem:s5], [sflag:$0x1] =	stream.indirect.gather [hbm4b:s4+s6], $0x40, s2, s6, $0xb8;
	[tilespmem:$0x1AD00] =	vst v63  }
0x23: {  	_ = 	snop  }
0x24: {  	[tilespmem:s7], [sflag:$0x1] =	stream.indirect.gather [hbm4b:s4+s6], $0x40, s6, s6, $0xb8;
	[tilespmem:$0x1AD00] =	vst v63  }
0x25: {  	s0 =	rddreg [dreg:$0x7]  }
0x26: {  	[tilespmem:s8], [sflag:$0x1] =	stream.indirect.gather [hbm4b:s4+s6], $0x40, s0, s6, $0xb8;
	[tilespmem:$0x1AD00] =	vst v63  }
0x27: {  	s20 =	smov.u32 s1;
	s1 =	rddreg [dreg:$0x8]  }
0x28: {  	[tilespmem:s9], [sflag:$0x1] =	stream.indirect.gather [hbm4b:s4+s6], $0x40, s1, s6, $0xb8;
	[tilespmem:$0x1AD00] =	vst v63  }
0x29: {  	s0 =	rddreg [dreg:$0x9]  }
0x2a: {  	[tilespmem:s10], [sflag:$0x1] =	stream.indirect.gather [hbm4b:s4+s6], $0x40, s0, s6, $0xb8;
	[tilespmem:$0x1AD00] =	vst v63  }
0x2b: {  	s1 =	rddreg [dreg:$0xa]  }
0x2c: {  	[tilespmem:s11], [sflag:$0x1] =	stream.indirect.gather [hbm4b:s4+s6], $0x40, s1, s6, $0xb8;
	[tilespmem:$0x1AD00] =	vst v63  }
0x2d: {  	s0 =	rddreg [dreg:$0xb]  }
0x2e: {  	[tilespmem:s12], [sflag:$0x1] =	stream.indirect.gather [hbm4b:s4+s6], $0x40, s0, s6, $0xb8;
	[tilespmem:$0x1AD00] =	vst v63  }
0x2f: {  	s1 =	rddreg [dreg:$0xc]  }
0x30: {  	[tilespmem:s13], [sflag:$0x1] =	stream.indirect.gather [hbm4b:s4+s6], $0x40, s1, s6, $0xb8;
	[tilespmem:$0x1AD00] =	vst v63  }
0x31: {  	s0 =	rddreg [dreg:$0xd]  }
0x32: {  	[tilespmem:s14], [sflag:$0x1] =	stream.indirect.gather [hbm4b:s4+s6], $0x40, s0, s6, $0xb8;
	[tilespmem:$0x1AD00] =	vst v63  }
0x33: {  	s1 =	rddreg [dreg:$0xe]  }
0x34: {  	[tilespmem:s15], [sflag:$0x1] =	stream.indirect.gather [hbm4b:s4+s6], $0x40, s1, s6, $0xb8;
	[tilespmem:$0x1AD00] =	vst v63  }
0x35: {  	s0 =	rddreg [dreg:$0xf]  }
0x36: {  	[tilespmem:s16], [sflag:$0x1] =	stream.indirect.gather [hbm4b:s4+s6], $0x40, s0, s6, $0xb8;
	[tilespmem:$0x1AD00] =	vst v63  }
0x37: {  	s1 =	rddreg [dreg:$0x10]  }
0x38: {  	[tilespmem:s18], [sflag:$0x1] =	stream.indirect.gather [hbm4b:s4+s6], $0x40, s1, s6, $0xb8;
	[tilespmem:$0x1AD00] =	vst v63  }
0x39: {  	s0 =	rddreg [dreg:$0x11]  }
0x3a: {  	[tilespmem:s19], [sflag:$0x1] =	stream.indirect.gather [hbm4b:s4+s6], $0x40, s0, s6, $0xb8;
	[tilespmem:$0x1AD00] =	vst v63  }
0x3b: {  	_ =	swait.ge [sflag:s17], $0x1A000  }
0x3c: {  	[sflag:s17] =	ssyncset.done $0x0  }
0x3d: {  	s1 =	rddreg [dreg:$0x5];
	[sflag:s17] =	ssyncadd.s32 $0xFFFE6000  }
0x3e: {  	[hbm4b:s1+s2] =	stream.linear.scatter [tilespmem:s5], [sflag:$0x2], $0x1A000, $0x38;
	[tilespmem:$0x1AD00] =	vst v63  }
0x3f: {  	_ =	swait.ge [sflag:s3], $0x1A000  }
0x40: {  	[sflag:s3] =	ssyncset.done $0x0  }
0x41: {  	s0 =	rddreg [dreg:$0x12];
	[sflag:s3] =	ssyncadd.s32 $0xFFFE6000  }
0x42: {  	[tilespmem:s5], [sflag:$0x1] =	stream.indirect.gather [hbm4b:s4+s6], $0x40, s0, s6, $0xb8;
	[tilespmem:$0x1AD00] =	vst v63  }
0x43: {  	s1 =	rddreg [dreg:$0x13]  }
0x44: {  	[tilespmem:s7], [sflag:$0x1] =	stream.indirect.gather [hbm4b:s4+s6], $0x40, s1, s6, $0xb8;
	[tilespmem:$0x1AD00] =	vst v63  }
0x45: {  	s1 =	simm.s32 $0x780  }
0x46: {  	[tilespmem:s8], [sflag:$0x1] =	stream.indirect.gather [hbm4b:s4+s6], $0x40, s1, s6, $0xb8;
	[tilespmem:$0x1AD00] =	vst v63  }
0x47: {  	_ = 	snop  }
0x48: {  	[tilespmem:s9], [sflag:$0x1] =	stream.indirect.gather [hbm4b:s4+s6], $0x40, s22, s6, $0xb8;
	[tilespmem:$0x1AD00] =	vst v63  }
0x49: {  	_ = 	snop  }
0x4a: {  	[tilespmem:s10], [sflag:$0x1] =	stream.indirect.gather [hbm4b:s4+s6], $0x40, s23, s6, $0xb8;
	[tilespmem:$0x1AD00] =	vst v63  }
0x4b: {  	_ = 	snop  }
0x4c: {  	[tilespmem:s11], [sflag:$0x1] =	stream.indirect.gather [hbm4b:s4+s6], $0x40, s24, s6, $0xb8;
	[tilespmem:$0x1AD00] =	vst v63  }
0x4d: {  	_ = 	snop  }
0x4e: {  	[tilespmem:s12], [sflag:$0x1] =	stream.indirect.gather [hbm4b:s4+s6], $0x40, s25, s6, $0xb8;
	[tilespmem:$0x1AD00] =	vst v63  }
0x4f: {  	_ = 	snop  }
0x50: {  	[tilespmem:s13], [sflag:$0x1] =	stream.indirect.gather [hbm4b:s4+s6], $0x40, s26, s6, $0xb8;
	[tilespmem:$0x1AD00] =	vst v63  }
0x51: {  	_ = 	snop  }
0x52: {  	[tilespmem:s14], [sflag:$0x1] =	stream.indirect.gather [hbm4b:s4+s6], $0x40, s28, s6, $0xb8;
	[tilespmem:$0x1AD00] =	vst v63  }
0x53: {  	_ = 	snop  }
0x54: {  	[tilespmem:s15], [sflag:$0x1] =	stream.indirect.gather [hbm4b:s4+s6], $0x40, s29, s6, $0xb8;
	[tilespmem:$0x1AD00] =	vst v63  }
0x55: {  	_ = 	snop  }
0x56: {  	[tilespmem:s16], [sflag:$0x1] =	stream.indirect.gather [hbm4b:s4+s6], $0x40, s30, s6, $0xb8;
	[tilespmem:$0x1AD00] =	vst v63  }
0x57: {  	_ = 	snop  }
0x58: {  	[tilespmem:s18], [sflag:$0x1] =	stream.indirect.gather [hbm4b:s4+s6], $0x40, s31, s6, $0xb8;
	[tilespmem:$0x1AD00] =	vst v63  }
0x59: {  	_ = 	snop  }
0x5a: {  	[tilespmem:s19], [sflag:$0x1] =	stream.indirect.gather [hbm4b:s4+s6], $0x40, s21, s6, $0xb8;
	[tilespmem:$0x1AD00] =	vst v63  }
0x5b: {  	p1 =	sne.s32 s20, $0x1;
	_ =	swait.ge [sflag:s17], $0x1A000  }
.Ltmp1:
0x5c: {  	[sflag:s17] =	ssyncset.done $0x0;
	(pc) =	sbr.rel @!p1 .LBB2_3-.Ltmp1, $4  }
0x5d: {  	s1 =	rddreg [dreg:$0x6];
	[sflag:s17] =	ssyncadd.s32 $0xFFFE6000  }
0x5e: {  	[hbm4b:s1+s2] =	stream.linear.scatter [tilespmem:s5], [sflag:$0x2], $0x1A000, $0x38;
	[tilespmem:$0x1AD00] =	vst v63  }
0x5f: {  	p0 =	por $0x1, $0x1;
	_ =	swait.ge [sflag:s3], $0x1A000  }
0x60: {  	s1 =	sadd.s32 $0xFFFFFFFF, s20;
	s0 =	rddreg [dreg:$0x4];
	[sflag:s3] =	ssyncset.done $0x0  }
.LBB2_4:
0x61: {  	[sflag:s3] =	ssyncadd.s32 $0xFFFE6000  }
0x62: {  	[tilespmem:s2], [sflag:$0x2] =	stream.linear.gather [hbm4b:s0+s2], $0xD00, $0x38;
	[tilespmem:$0x1AD00] =	vst v63  }
0x63: {  	_ =	swait.ge [sflag:s3], $0xD00  }
0x64: {  	[sflag:s3] =	ssyncset.done $0x0  }
0x65: {  	[sflag:s3] =	ssyncadd.s32 $0xFFFFF300  }
0x66: {  	[tilespmem:s5], [sflag:$0x1] =	stream.indirect.gather [hbm4b:s4+s6], $0x40, s2, s6, $0xb8;
	[tilespmem:$0x1AD00] =	vst v63  }
0x67: {  	_ = 	snop  }
0x68: {  	[tilespmem:s7], [sflag:$0x1] =	stream.indirect.gather [hbm4b:s4+s6], $0x40, s6, s6, $0xb8;
	[tilespmem:$0x1AD00] =	vst v63  }
0x69: {  	s0 =	rddreg [dreg:$0x7]  }
0x6a: {  	[tilespmem:s8], [sflag:$0x1] =	stream.indirect.gather [hbm4b:s4+s6], $0x40, s0, s6, $0xb8;
	[tilespmem:$0x1AD00] =	vst v63  }
0x6b: {  	s20 =	rddreg [dreg:$0x8]  }
0x6c: {  	[tilespmem:s9], [sflag:$0x1] =	stream.indirect.gather [hbm4b:s4+s6], $0x40, s20, s6, $0xb8;
	[tilespmem:$0x1AD00] =	vst v63  }
0x6d: {  	s0 =	rddreg [dreg:$0x9]  }
0x6e: {  	[tilespmem:s10], [sflag:$0x1] =	stream.indirect.gather [hbm4b:s4+s6], $0x40, s0, s6, $0xb8;
	[tilespmem:$0x1AD00] =	vst v63  }
0x6f: {  	s20 =	rddreg [dreg:$0xa]  }
0x70: {  	[tilespmem:s11], [sflag:$0x1] =	stream.indirect.gather [hbm4b:s4+s6], $0x40, s20, s6, $0xb8;
	[tilespmem:$0x1AD00] =	vst v63  }
0x71: {  	s0 =	rddreg [dreg:$0xb]  }
0x72: {  	[tilespmem:s12], [sflag:$0x1] =	stream.indirect.gather [hbm4b:s4+s6], $0x40, s0, s6, $0xb8;
	[tilespmem:$0x1AD00] =	vst v63  }
0x73: {  	s20 =	rddreg [dreg:$0xc]  }
0x74: {  	[tilespmem:s13], [sflag:$0x1] =	stream.indirect.gather [hbm4b:s4+s6], $0x40, s20, s6, $0xb8;
	[tilespmem:$0x1AD00] =	vst v63  }
0x75: {  	s0 =	rddreg [dreg:$0xd]  }
0x76: {  	[tilespmem:s14], [sflag:$0x1] =	stream.indirect.gather [hbm4b:s4+s6], $0x40, s0, s6, $0xb8;
	[tilespmem:$0x1AD00] =	vst v63  }
0x77: {  	s20 =	rddreg [dreg:$0xe]  }
0x78: {  	[tilespmem:s15], [sflag:$0x1] =	stream.indirect.gather [hbm4b:s4+s6], $0x40, s20, s6, $0xb8;
	[tilespmem:$0x1AD00] =	vst v63  }
0x79: {  	s0 =	rddreg [dreg:$0xf]  }
0x7a: {  	[tilespmem:s16], [sflag:$0x1] =	stream.indirect.gather [hbm4b:s4+s6], $0x40, s0, s6, $0xb8;
	[tilespmem:$0x1AD00] =	vst v63  }
0x7b: {  	s20 =	rddreg [dreg:$0x10]  }
0x7c: {  	[tilespmem:s18], [sflag:$0x1] =	stream.indirect.gather [hbm4b:s4+s6], $0x40, s20, s6, $0xb8;
	[tilespmem:$0x1AD00] =	vst v63  }
0x7d: {  	s0 =	rddreg [dreg:$0x11]  }
0x7e: {  	[tilespmem:s19], [sflag:$0x1] =	stream.indirect.gather [hbm4b:s4+s6], $0x40, s0, s6, $0xb8;
	[tilespmem:$0x1AD00] =	vst v63  }
0x7f: {  	_ =	swait.ge [sflag:s17], $0x1A000  }
0x80: {  	[sflag:s17] =	ssyncset.done $0x0  }
0x81: {  	s20 =	rddreg [dreg:$0x5];
	[sflag:s17] =	ssyncadd.s32 $0xFFFE6000  }
0x82: {  	[hbm4b:s20+s2] =	stream.linear.scatter [tilespmem:s5], [sflag:$0x2], $0x1A000, $0x38;
	[tilespmem:$0x1AD00] =	vst v63  }
0x83: {  	_ =	swait.ge [sflag:s3], $0x1A000  }
0x84: {  	[sflag:s3] =	ssyncset.done $0x0  }
0x85: {  	s0 =	rddreg [dreg:$0x12];
	[sflag:s3] =	ssyncadd.s32 $0xFFFE6000  }
0x86: {  	[tilespmem:s5], [sflag:$0x1] =	stream.indirect.gather [hbm4b:s4+s6], $0x40, s0, s6, $0xb8;
	[tilespmem:$0x1AD00] =	vst v63  }
0x87: {  	s20 =	rddreg [dreg:$0x13]  }
0x88: {  	[tilespmem:s7], [sflag:$0x1] =	stream.indirect.gather [hbm4b:s4+s6], $0x40, s20, s6, $0xb8;
	[tilespmem:$0x1AD00] =	vst v63  }
0x89: {  	s20 =	simm.s32 $0x780  }
0x8a: {  	[tilespmem:s8], [sflag:$0x1] =	stream.indirect.gather [hbm4b:s4+s6], $0x40, s20, s6, $0xb8;
	[tilespmem:$0x1AD00] =	vst v63  }
0x8b: {  	_ = 	snop  }
0x8c: {  	[tilespmem:s9], [sflag:$0x1] =	stream.indirect.gather [hbm4b:s4+s6], $0x40, s22, s6, $0xb8;
	[tilespmem:$0x1AD00] =	vst v63  }
0x8d: {  	_ = 	snop  }
0x8e: {  	[tilespmem:s10], [sflag:$0x1] =	stream.indirect.gather [hbm4b:s4+s6], $0x40, s23, s6, $0xb8;
	[tilespmem:$0x1AD00] =	vst v63  }
0x8f: {  	_ = 	snop  }
0x90: {  	[tilespmem:s11], [sflag:$0x1] =	stream.indirect.gather [hbm4b:s4+s6], $0x40, s24, s6, $0xb8;
	[tilespmem:$0x1AD00] =	vst v63  }
0x91: {  	_ = 	snop  }
0x92: {  	[tilespmem:s12], [sflag:$0x1] =	stream.indirect.gather [hbm4b:s4+s6], $0x40, s25, s6, $0xb8;
	[tilespmem:$0x1AD00] =	vst v63  }
0x93: {  	_ = 	snop  }
0x94: {  	[tilespmem:s13], [sflag:$0x1] =	stream.indirect.gather [hbm4b:s4+s6], $0x40, s26, s6, $0xb8;
	[tilespmem:$0x1AD00] =	vst v63  }
0x95: {  	_ = 	snop  }
0x96: {  	[tilespmem:s14], [sflag:$0x1] =	stream.indirect.gather [hbm4b:s4+s6], $0x40, s28, s6, $0xb8;
	[tilespmem:$0x1AD00] =	vst v63  }
0x97: {  	_ = 	snop  }
0x98: {  	[tilespmem:s15], [sflag:$0x1] =	stream.indirect.gather [hbm4b:s4+s6], $0x40, s29, s6, $0xb8;
	[tilespmem:$0x1AD00] =	vst v63  }
0x99: {  	_ = 	snop  }
0x9a: {  	[tilespmem:s16], [sflag:$0x1] =	stream.indirect.gather [hbm4b:s4+s6], $0x40, s30, s6, $0xb8;
	[tilespmem:$0x1AD00] =	vst v63  }
0x9b: {  	_ = 	snop  }
0x9c: {  	[tilespmem:s18], [sflag:$0x1] =	stream.indirect.gather [hbm4b:s4+s6], $0x40, s31, s6, $0xb8;
	[tilespmem:$0x1AD00] =	vst v63  }
0x9d: {  	_ = 	snop  }
0x9e: {  	[tilespmem:s19], [sflag:$0x1] =	stream.indirect.gather [hbm4b:s4+s6], $0x40, s21, s6, $0xb8;
	[tilespmem:$0x1AD00] =	vst v63  }
0x9f: {  	p1 =	sne.s32 s1, $0x1;
	_ =	swait.ge [sflag:s17], $0x1A000  }
.Ltmp2:
0xa0: {  	[sflag:s17] =	ssyncset.done $0x0;
	(pc) =	sbr.rel @p1 .LBB2_4-.Ltmp2, $4  }
0xa1: {  	s20 =	rddreg [dreg:$0x6];
	[sflag:s17] =	ssyncadd.s32 $0xFFFE6000  }
0xa2: {  	[hbm4b:s20+s2] =	stream.linear.scatter [tilespmem:s5], [sflag:$0x2], $0x1A000, $0x38;
	[tilespmem:$0x1AD00] =	vst v63  }
0xa3: {  	_ =	swait.ge [sflag:s3], $0x1A000  }
0xa4: {  	s1 =	sadd.s32 $0xFFFFFFFF, s1;
	s0 =	rddreg [dreg:$0x4];
	[sflag:s3] =	ssyncset.done $0x0  }
0xa5: {  	s31 =	simm.s32 $0xC00;
	s30 =	simm.s32 $0xB80  }
0xa6: {  	s29 =	simm.s32 $0xB00;
	s28 =	simm.s32 $0xA80;
	s26 =	simm.s32 $0xA00  }
0xa7: {  	s25 =	simm.s32 $0x980;
	s24 =	simm.s32 $0x900;
	s23 =	simm.s32 $0x880  }
0xa8: {  	s22 =	simm.s32 $0x800;
	s21 =	simm.s32 $0x780;
	s20 =	stileid.u32  }
.LBB2_6:
0xa9: {  	[sflag:s3] =	ssyncadd.s32 @p0 $0xFFFE6000  }
0xaa: {  	[tilespmem:s2], [sflag:$0x2] =	stream.linear.gather [hbm4b:s0+s2], $0xD00, $0x38;
	[tilespmem:$0x1AD00] =	vst v63  }
0xab: {  	_ =	swait.ge [sflag:s3], $0xD00  }
0xac: {  	[sflag:s3] =	ssyncset.done $0x0  }
0xad: {  	[sflag:s3] =	ssyncadd.s32 $0xFFFFF300  }
0xae: {  	[tilespmem:s5], [sflag:$0x1] =	stream.indirect.gather [hbm4b:s4+s6], $0x40, s2, s6, $0xb8;
	[tilespmem:$0x1AD00] =	vst v63  }
0xaf: {  	_ = 	snop  }
0xb0: {  	[tilespmem:s7], [sflag:$0x1] =	stream.indirect.gather [hbm4b:s4+s6], $0x40, s6, s6, $0xb8;
	[tilespmem:$0x1AD00] =	vst v63  }
0xb1: {  	s0 =	rddreg [dreg:$0x7]  }
0xb2: {  	[tilespmem:s8], [sflag:$0x1] =	stream.indirect.gather [hbm4b:s4+s6], $0x40, s0, s6, $0xb8;
	[tilespmem:$0x1AD00] =	vst v63  }
0xb3: {  	s1 =	rddreg [dreg:$0x8]  }
0xb4: {  	[tilespmem:s9], [sflag:$0x1] =	stream.indirect.gather [hbm4b:s4+s6], $0x40, s1, s6, $0xb8;
	[tilespmem:$0x1AD00] =	vst v63  }
0xb5: {  	s0 =	rddreg [dreg:$0x9]  }
0xb6: {  	[tilespmem:s10], [sflag:$0x1] =	stream.indirect.gather [hbm4b:s4+s6], $0x40, s0, s6, $0xb8;
	[tilespmem:$0x1AD00] =	vst v63  }
0xb7: {  	s1 =	rddreg [dreg:$0xa]  }
0xb8: {  	[tilespmem:s11], [sflag:$0x1] =	stream.indirect.gather [hbm4b:s4+s6], $0x40, s1, s6, $0xb8;
	[tilespmem:$0x1AD00] =	vst v63  }
0xb9: {  	s0 =	rddreg [dreg:$0xb]  }
0xba: {  	[tilespmem:s12], [sflag:$0x1] =	stream.indirect.gather [hbm4b:s4+s6], $0x40, s0, s6, $0xb8;
	[tilespmem:$0x1AD00] =	vst v63  }
0xbb: {  	s1 =	rddreg [dreg:$0xc]  }
0xbc: {  	[tilespmem:s13], [sflag:$0x1] =	stream.indirect.gather [hbm4b:s4+s6], $0x40, s1, s6, $0xb8;
	[tilespmem:$0x1AD00] =	vst v63  }
0xbd: {  	s0 =	rddreg [dreg:$0xd]  }
0xbe: {  	[tilespmem:s14], [sflag:$0x1] =	stream.indirect.gather [hbm4b:s4+s6], $0x40, s0, s6, $0xb8;
	[tilespmem:$0x1AD00] =	vst v63  }
0xbf: {  	s1 =	rddreg [dreg:$0xe]  }
0xc0: {  	[tilespmem:s15], [sflag:$0x1] =	stream.indirect.gather [hbm4b:s4+s6], $0x40, s1, s6, $0xb8;
	[tilespmem:$0x1AD00] =	vst v63  }
0xc1: {  	s0 =	rddreg [dreg:$0xf]  }
0xc2: {  	[tilespmem:s16], [sflag:$0x1] =	stream.indirect.gather [hbm4b:s4+s6], $0x40, s0, s6, $0xb8;
	[tilespmem:$0x1AD00] =	vst v63  }
0xc3: {  	s1 =	rddreg [dreg:$0x10]  }
0xc4: {  	[tilespmem:s18], [sflag:$0x1] =	stream.indirect.gather [hbm4b:s4+s6], $0x40, s1, s6, $0xb8;
	[tilespmem:$0x1AD00] =	vst v63  }
0xc5: {  	s0 =	rddreg [dreg:$0x11]  }
0xc6: {  	[tilespmem:s19], [sflag:$0x1] =	stream.indirect.gather [hbm4b:s4+s6], $0x40, s0, s6, $0xb8;
	[tilespmem:$0x1AD00] =	vst v63  }
0xc7: {  	_ =	swait.ge [sflag:s17], $0x1A000  }
0xc8: {  	[sflag:s17] =	ssyncset.done $0x0  }
0xc9: {  	s1 =	rddreg [dreg:$0x5];
	[sflag:s17] =	ssyncadd.s32 $0xFFFE6000  }
0xca: {  	[hbm4b:s1+s2] =	stream.linear.scatter [tilespmem:s5], [sflag:$0x2], $0x1A000, $0x38;
	[tilespmem:$0x1AD00] =	vst v63  }
0xcb: {  	_ =	swait.ge [sflag:s3], $0x1A000  }
0xcc: {  	[sflag:s3] =	ssyncset.done $0x0  }
0xcd: {  	s0 =	rddreg [dreg:$0x12];
	[sflag:s3] =	ssyncadd.s32 $0xFFFE6000  }
0xce: {  	[tilespmem:s5], [sflag:$0x1] =	stream.indirect.gather [hbm4b:s4+s6], $0x40, s0, s6, $0xb8;
	[tilespmem:$0x1AD00] =	vst v63  }
0xcf: {  	s1 =	rddreg [dreg:$0x13]  }
0xd0: {  	[tilespmem:s7], [sflag:$0x1] =	stream.indirect.gather [hbm4b:s4+s6], $0x40, s1, s6, $0xb8;
	[tilespmem:$0x1AD00] =	vst v63  }
0xd1: {  	_ = 	snop  }
0xd2: {  	[tilespmem:s8], [sflag:$0x1] =	stream.indirect.gather [hbm4b:s4+s6], $0x40, s21, s6, $0xb8;
	[tilespmem:$0x1AD00] =	vst v63  }
0xd3: {  	_ = 	snop  }
0xd4: {  	[tilespmem:s9], [sflag:$0x1] =	stream.indirect.gather [hbm4b:s4+s6], $0x40, s22, s6, $0xb8;
	[tilespmem:$0x1AD00] =	vst v63  }
0xd5: {  	_ = 	snop  }
0xd6: {  	[tilespmem:s10], [sflag:$0x1] =	stream.indirect.gather [hbm4b:s4+s6], $0x40, s23, s6, $0xb8;
	[tilespmem:$0x1AD00] =	vst v63  }
0xd7: {  	_ = 	snop  }
0xd8: {  	[tilespmem:s11], [sflag:$0x1] =	stream.indirect.gather [hbm4b:s4+s6], $0x40, s24, s6, $0xb8;
	[tilespmem:$0x1AD00] =	vst v63  }
0xd9: {  	_ = 	snop  }
0xda: {  	[tilespmem:s12], [sflag:$0x1] =	stream.indirect.gather [hbm4b:s4+s6], $0x40, s25, s6, $0xb8;
	[tilespmem:$0x1AD00] =	vst v63  }
0xdb: {  	_ = 	snop  }
0xdc: {  	[tilespmem:s13], [sflag:$0x1] =	stream.indirect.gather [hbm4b:s4+s6], $0x40, s26, s6, $0xb8;
	[tilespmem:$0x1AD00] =	vst v63  }
0xdd: {  	_ = 	snop  }
0xde: {  	[tilespmem:s14], [sflag:$0x1] =	stream.indirect.gather [hbm4b:s4+s6], $0x40, s28, s6, $0xb8;
	[tilespmem:$0x1AD00] =	vst v63  }
0xdf: {  	_ = 	snop  }
0xe0: {  	[tilespmem:s15], [sflag:$0x1] =	stream.indirect.gather [hbm4b:s4+s6], $0x40, s29, s6, $0xb8;
	[tilespmem:$0x1AD00] =	vst v63  }
0xe1: {  	_ = 	snop  }
0xe2: {  	[tilespmem:s16], [sflag:$0x1] =	stream.indirect.gather [hbm4b:s4+s6], $0x40, s30, s6, $0xb8;
	[tilespmem:$0x1AD00] =	vst v63  }
0xe3: {  	_ = 	snop  }
0xe4: {  	[tilespmem:s18], [sflag:$0x1] =	stream.indirect.gather [hbm4b:s4+s6], $0x40, s31, s6, $0xb8;
	[tilespmem:$0x1AD00] =	vst v63  }
0xe5: {  	s30 =	simm.s32 $0xC80  }
0xe6: {  	[tilespmem:s19], [sflag:$0x1] =	stream.indirect.gather [hbm4b:s4+s6], $0x40, s30, s6, $0xb8;
	[tilespmem:$0x1AD00] =	vst v63  }
0xe7: {  	_ =	swait.ge [sflag:s17], $0x1A000  }
0xe8: {  	[sflag:s17] =	ssyncset.done $0x0  }
0xe9: {  	s31 =	rddreg [dreg:$0x6];
	[sflag:s17] =	ssyncadd.s32 $0xFFFE6000  }
0xea: {  	[hbm4b:s31+s2] =	stream.linear.scatter [tilespmem:s5], [sflag:$0x2], $0x1A000, $0x38;
	[tilespmem:$0x1AD00] =	vst v63  }
0xeb: {  	_ =	swait.ge [sflag:s3], $0x1A000  }
0xec: {  	[sflag:s3] =	ssyncset.done $0x0  }
0xed: {  	[sflag:s3] =	ssyncadd.s32 $0xFFFE6000  }
0xee: {  	_ =	sfence.sel $0x180000  }
0xef: {  	[bflag:$0x0] =	sbarrier.arrive $0xFFFF  }
0xf0: {  	_ =	strace $0x90000047  }
0xf1: {  	[bflag:$0x2] =	sbarrier.arrive $0xFFFF  }
0xf2: {  	p0 =	sne.s32 s20, $0x0;
	s0 =	rddreg [dreg:$0x3]  }
0xf3: {  	s0 =	sadd.s32 @!p0 $0x100000, s0  }
0xf4: {  	[sflag:s0] =	ssyncadd.tile.s32 @!p0 $0x1;
	_ =	shalt  }
.LBB2_1:
.Ltmp3:
0xf5: {  	(pc) =	sbr.rel .LBB2_6-.Ltmp3, $4  }
0xf6: {  	s31 =	simm.s32 $0xC00  }
0xf7: {  	s30 =	simm.s32 $0xB80;
	s29 =	simm.s32 $0xB00;
	s28 =	simm.s32 $0xA80  }
0xf8: {  	s26 =	simm.s32 $0xA00;
	s25 =	simm.s32 $0x980;
	s24 =	simm.s32 $0x900  }
0xf9: {  	s23 =	simm.s32 $0x880;
	s22 =	simm.s32 $0x800;
	s21 =	simm.s32 $0x780  }
.LBB2_3:
.Ltmp4:
0xfa: {  	(pc) =	sbr.rel .LBB2_6-.Ltmp4, $4  }
0xfb: {  	s31 =	simm.s32 $0xC00;
	s30 =	simm.s32 $0xB80  }
0xfc: {  	s29 =	simm.s32 $0xB00;
	s28 =	simm.s32 $0xA80;
	s26 =	simm.s32 $0xA00  }
0xfd: {  	s25 =	simm.s32 $0x980;
	s24 =	simm.s32 $0x900;
	s23 =	simm.s32 $0x880  }
0xfe: {  	s22 =	simm.s32 $0x800;
	s21 =	simm.s32 $0x780;
	s20 =	stileid.u32  }
.Lfunc_end2:
_tile_overlayer_lowered:
.L_overlay_start_2:
0xff: {  	(tag) =	ssettag $0x2  }
0x100: {  	s0 =	rddreg [dreg:$0x0];
	s2 =	stileid.u32  }
0x101: {  	s1 =	rddreg [dreg:$0x1];
	p0 =	sne.s32 s2, $0x0  }
0x102: {  	s3 =	rddreg [dreg:$0x2];
	[bflag:$0x3] =	sbarrier.arrive $0xFFFF;
	s2 =	simm.s32 @!p0 $0x1C02  }
0x103: {  	[timem:s3], [sflag:s2] =	dma.local @!p0 [hbm:s0], s1  }
0x104: {  	s0 =	simm.s32 @!p0 $0x2  }
0x105: {  	_ =	swait.ge @!p0 [sflag:s0], s1  }
0x106: {  	s1 =	ssub.s32 @!p0 $0x0, s1;
	[sflag:s0] =	ssyncset.done @!p0 $0x0  }
0x107: {  	[sflag:s0] =	ssyncadd.s32 @!p0 s1  }
0x108: {  	[bflag:$0x3] =	sbarrier.arrive $0xFFFF  }
0x109: {  	_ =	shalt  }

</sc_bundles>
